<compile_context>
chip_gen: v7x
topology: tpu7x:2x2x1
jax: 0.10.2.dev20260603
libtpu: 0.0.44.dev20260713+nightly
codegen_flags: <defaults>
</compile_context>

<pallas_src>
import functools

import jax
import jax.numpy as jnp
from jax import lax
from jax.experimental import pallas as pl
from jax.experimental.pallas import tpu as pltpu
from jax.experimental.pallas import tpu_sc as plsc

N_FEATURES = 128
Z_MAX = 100
R_CUT = 5.0
GAMMA = 10.0
N_NODES = 10000
N_EDGES = 320000

NC, NS, L = 2, 16, 16
NW = NC * NS

E_PER_W = N_EDGES // NW
Z_PAD = 10240
Z_PER_W = Z_PAD // NW


@functools.lru_cache(maxsize=1)
def _sc_kernel():
    mesh = plsc.VectorSubcoreMesh(
        core_axis_name="c", subcore_axis_name="s", num_cores=NC, num_subcores=NS
    )

    @functools.partial(
        pl.kernel,
        out_type=(
            jax.ShapeDtypeStruct((N_EDGES,), jnp.float32),
            jax.ShapeDtypeStruct((N_NODES, N_FEATURES), jnp.float32),
        ),
        mesh=mesh,
        scratch_types=[
            pltpu.VMEM((N_NODES * 3,), jnp.float32),
            pltpu.VMEM((E_PER_W,), jnp.int32),
            pltpu.VMEM((E_PER_W,), jnp.int32),
            pltpu.VMEM((E_PER_W,), jnp.float32),
            pltpu.VMEM((Z_PER_W,), jnp.int32),
            pltpu.VMEM((Z_PER_W, N_FEATURES), jnp.float32),
            pltpu.SemaphoreType.DMA,
        ],
        compiler_params=pltpu.CompilerParams(needs_layout_passes=False),
    )
    def sc_fused(pos_hbm, eidx_hbm, z_hbm, table_hbm, d2_hbm, emb_hbm,
                 pos_v, src_v, dst_v, d2_v, idx_v, rows_v, sem):
        wid = lax.axis_index("s") * NC + lax.axis_index("c")
        zbase = wid * Z_PER_W
        pltpu.sync_copy(z_hbm.at[pl.ds(zbase, Z_PER_W)], idx_v)
        emb_cp = pltpu.async_copy(table_hbm.at[idx_v], rows_v, sem)

        base = wid * E_PER_W
        pltpu.sync_copy(pos_hbm, pos_v)
        pltpu.sync_copy(eidx_hbm.at[pl.ds(base, E_PER_W)], src_v)
        pltpu.sync_copy(eidx_hbm.at[pl.ds(N_EDGES + base, E_PER_W)], dst_v)

        three = jnp.full((L,), 3, jnp.int32)

        @plsc.parallel_loop(0, E_PER_W // L, 1, unroll=8)
        def body(i):
            off = i * L
            s = src_v[pl.ds(off, L)] * three
            t = dst_v[pl.ds(off, L)] * three
            acc = jnp.zeros((L,), jnp.float32)
            for c in range(3):
                col = jnp.full((L,), c, jnp.int32)
                a = plsc.load_gather(pos_v, [s + col])
                b = plsc.load_gather(pos_v, [t + col])
                diff = a - b
                acc = acc + diff * diff
            d2_v[pl.ds(off, L)] = acc

        pltpu.sync_copy(d2_v, d2_hbm.at[pl.ds(base, E_PER_W)])
        emb_cp.wait()

        @pl.when(wid < NW - 1)
        def _():
            pltpu.sync_copy(rows_v, emb_hbm.at[pl.ds(zbase, Z_PER_W)])

        @pl.when(wid == NW - 1)
        def _():
            pltpu.sync_copy(rows_v.at[0:N_NODES - (NW - 1) * Z_PER_W],
                            emb_hbm.at[pl.ds(zbase, N_NODES - (NW - 1) * Z_PER_W)])

    return sc_fused


_RBF_ROWS = 12800
_N_BLOCKS = N_EDGES // _RBF_ROWS
_PRE_ROWS = N_EDGES // N_FEATURES


def _mu_row():
    mu_i = lax.broadcasted_iota(jnp.int32, (1, N_FEATURES), 1)
    return mu_i.astype(jnp.float32) * jnp.float32(R_CUT / (N_FEATURES - 1))


def _split3(x):
    hi = x.astype(jnp.bfloat16)
    r = x - hi.astype(jnp.float32)
    mid = r.astype(jnp.bfloat16)
    lo = (r - mid.astype(jnp.float32)).astype(jnp.bfloat16)
    return hi, mid, lo


def _pre_body(d2_ref, a_ref):
    d2 = d2_ref[...]
    d = jnp.sqrt(d2 + 1e-12)
    cut = 0.5 * (jnp.cos(jnp.pi * d / R_CUT) + 1.0)
    cut = jnp.where(d < R_CUT, cut, 0.0)
    cut = jnp.maximum(cut, 1e-37)
    b = (2.0 * GAMMA) * d
    h = jnp.log(cut) - GAMMA * (d * d)
    bh, bm, bl = _split3(b)
    hh, hm, hl = _split3(h)
    P = _PRE_ROWS
    a_ref[0 * P:1 * P, :] = bh
    a_ref[1 * P:2 * P, :] = bh
    a_ref[2 * P:3 * P, :] = bm
    a_ref[3 * P:4 * P, :] = bm
    a_ref[4 * P:5 * P, :] = bl
    a_ref[5 * P:6 * P, :] = hh
    a_ref[6 * P:7 * P, :] = hm
    a_ref[7 * P:8 * P, :] = hl


_pre = pl.pallas_call(
    _pre_body,
    out_shape=jax.ShapeDtypeStruct((8 * _PRE_ROWS, N_FEATURES), jnp.bfloat16),
)


def _rbf_body(a_ref, out_ref):
    A = a_ref[...]
    mu = _mu_row()
    mh = mu.astype(jnp.bfloat16)
    ml = (mu - mh.astype(jnp.float32)).astype(jnp.bfloat16)
    ones = jnp.ones((1, N_FEATURES), jnp.bfloat16)
    B = jnp.concatenate([mh, ml, mh, ml, mh, ones, ones, ones], axis=0)
    acc = lax.dot_general(
        A, B, (((0,), (0,)), ((), ())),
        preferred_element_type=jnp.float32,
    )
    g = GAMMA * (mu * mu)
    out_ref[...] = jnp.exp(acc - g)


_rbf = pl.pallas_call(
    _rbf_body,
    grid=(_N_BLOCKS,),
    in_specs=[pl.BlockSpec((8, _RBF_ROWS), lambda i: (0, i))],
    out_specs=pl.BlockSpec((_RBF_ROWS, N_FEATURES), lambda i: (i, 0)),
    out_shape=jax.ShapeDtypeStruct((N_EDGES, N_FEATURES), jnp.float32),
)


def kernel(z, pos, edge_index, batch, emb_table):
    del batch
    z = z.astype(jnp.int32)
    edge_index = edge_index.astype(jnp.int32)
    pos = pos.astype(jnp.float32)
    emb_table = emb_table.astype(jnp.float32)

    z_pad = jnp.concatenate([z, jnp.zeros((Z_PAD - N_NODES,), jnp.int32)])
    d2, atom_node = _sc_kernel()(pos.reshape(N_NODES * 3),
                                 edge_index.reshape(2 * N_EDGES), z_pad,
                                 emb_table)
    A = _pre(d2.reshape(_PRE_ROWS, N_FEATURES)).reshape(8, N_EDGES)
    dist_edge = _rbf(A)

    force_node = jnp.zeros((N_NODES, 3, N_FEATURES), jnp.float32)
    disp_node = jnp.zeros((N_NODES, 3, N_FEATURES), jnp.float32)
    return (atom_node, force_node, disp_node, dist_edge)

# --- scband reference (transcript-rebuilt; emitter-appended) ---
"""Pipeline reference for scband-embedding-net-32203664785944 (READ-ONLY COPY).

The authoritative reference and input builder live on the scoring server;
editing this copy changes nothing except your own understanding.
"""

import jax, jax.numpy as jnp
import numpy as np

N_FEATURES = 128
Z_MAX = 100
R_CUT = 5.0
GAMMA = 10.0
N_NODES = 10000
N_EDGES = 320000


def _scalednorm(disp):
    # scaled/safe L2 norm over last axis -> [E]
    return jnp.sqrt(jnp.sum(disp * disp, axis=-1) + 1e-12)


def _cutoff(d):
    # cosine cutoff envelope
    return 0.5 * (jnp.cos(jnp.pi * d / R_CUT) + 1.0) * (d < R_CUT).astype(d.dtype)


def _edge_embedding(d):
    # Gaussian radial basis expansion -> [E, N_FEATURES]
    mu = jnp.linspace(0.0, R_CUT, N_FEATURES, dtype=d.dtype)
    return jnp.exp(-GAMMA * (d[:, None] - mu[None, :]) ** 2)


def setup_inputs(seed: int = 0) -> dict:
    key = jax.random.key(seed)
    k1, k2, k3, k4, k5 = jax.random.split(key, 5)
    z = jax.random.randint(k1, (N_NODES,), 0, Z_MAX + 1)
    pos = jax.random.normal(k2, (N_NODES, 3), dtype=jnp.float32) * 5.0
    edge_index = jax.random.randint(k3, (2, N_EDGES), 0, N_NODES)
    batch = jnp.sort(jax.random.randint(k4, (N_NODES,), 0, 64))
    # learned parameter: node embedding table [z_max + 1, n_features]
    emb_table = jax.random.normal(k5, (Z_MAX + 1, N_FEATURES), dtype=jnp.float32) * 0.02
    return {"z": z, "pos": pos, "edge_index": edge_index, "batch": batch, "emb_table": emb_table}


def reference(z, pos, edge_index, batch, emb_table):
    # atom_node = self.node_embedding(z)
    atom_node = jnp.take(emb_table, z, axis=0)
    # force_node / disp_node = torch.zeros(*pos.shape, n_features)
    force_node = jnp.zeros(pos.shape + (N_FEATURES,), dtype=pos.dtype)
    disp_node = jnp.zeros(pos.shape + (N_FEATURES,), dtype=pos.dtype)
    # disp = pos[edge_index[0]] - pos[edge_index[1]]
    disp = pos[edge_index[0]] - pos[edge_index[1]]
    # dist = self.norm(disp)
    dist = _scalednorm(disp)
    # dist_edge = self.cutoff(dist) * self.edge_embedding(dist)
    dist_edge = _cutoff(dist)[:, None] * _edge_embedding(dist)
    return (atom_node, force_node, disp_node, dist_edge)

if __name__ == "__main__":
    import jax
    _d = setup_inputs()
    print(jax.jit(kernel)(*tuple(_d.values())))

</pallas_src>

<mosaic_0001>
#map = affine_map<(d0, d1) -> (0)>
#map1 = affine_map<(d0, d1) -> (0, 0)>
module attributes {stable_mosaic.version = 14 : i64} {
  func.func @sc_fused(%arg0: i32, %arg1: i32, %arg2: memref<30000xf32, #tpu.memory_space<hbm>>, %arg3: memref<640000xi32, #tpu.memory_space<hbm>>, %arg4: memref<10240xi32, #tpu.memory_space<hbm>>, %arg5: memref<101x128xf32, #tpu.memory_space<hbm>>, %arg6: memref<320000xf32, #tpu.memory_space<hbm>>, %arg7: memref<10000x128xf32, #tpu.memory_space<hbm>>, %arg8: memref<30000xf32, #tpu.memory_space<vmem>>, %arg9: memref<10000xi32, #tpu.memory_space<vmem>>, %arg10: memref<10000xi32, #tpu.memory_space<vmem>>, %arg11: memref<10000xf32, #tpu.memory_space<vmem>>, %arg12: memref<320xi32, #tpu.memory_space<vmem>>, %arg13: memref<320x128xf32, #tpu.memory_space<vmem>>, %arg14: memref<!tpu.dma_semaphore, #tpu.memory_space<semaphore_mem>>) attributes {dimension_semantics = [#tpu.dimension_semantics<core_parallel>, #tpu.dimension_semantics<subcore_parallel>], iteration_bounds = array<i64: 2, 16>, scalar_prefetch = 0 : i64, scratch_operands = 7 : i64, tpu.core_type = #tpu.core_type<sc_vector_subcore>, window_params = [{transform_indices = #map}, {transform_indices = #map}, {transform_indices = #map}, {transform_indices = #map1}, {transform_indices = #map}, {transform_indices = #map1}]} {
    %mul3A = arith.constant 2 : i32
    %mul3A_0 = arith.muli %arg1, %mul3A : i32
    %add3A = arith.addi %mul3A_0, %arg0 : i32
    %mul3A_1 = arith.constant 320 : i32
    %mul3A_2 = arith.muli %add3A, %mul3A_1 : i32
    "tpu.region"() ({
      %run_scoped3A = tpu.sem_alloc : memref<!tpu.dma_semaphore, #tpu.memory_space<semaphore_mem>>
      %dma_start3A_20 = tpu.memref_slice %arg4[%mul3A_2] : memref<10240xi32, #tpu.memory_space<hbm>> -> memref<320xi32, #tpu.memory_space<hbm>>
      %dma_start3A_21 = tpu.memref_slice %arg4[%mul3A_2] : memref<10240xi32, #tpu.memory_space<hbm>> -> memref<320xi32, #tpu.memory_space<hbm>>
      tpu.enqueue_dma source(%dma_start3A_21 : memref<320xi32, #tpu.memory_space<hbm>>) target(%arg12 : memref<320xi32, #tpu.memory_space<vmem>>) target_semaphore(%run_scoped3A : memref<!tpu.dma_semaphore, #tpu.memory_space<semaphore_mem>>)
      %dma_wait3A_22 = tpu.memref_slice %arg4[%mul3A_2] : memref<10240xi32, #tpu.memory_space<hbm>> -> memref<320xi32, #tpu.memory_space<hbm>>
      %dma_wait3A_23 = tpu.memref_slice %arg4[%mul3A_2] : memref<10240xi32, #tpu.memory_space<hbm>> -> memref<320xi32, #tpu.memory_space<hbm>>
      tpu.wait_dma2 semaphore(%run_scoped3A : memref<!tpu.dma_semaphore, #tpu.memory_space<semaphore_mem>>) src(%dma_wait3A_23 : memref<320xi32, #tpu.memory_space<hbm>>) dst(%arg12 : memref<320xi32, #tpu.memory_space<vmem>>)
      tpu.yield
    }) : () -> ()
    %dma_start3A = arith.constant 0 : i32
    %dma_start3A_3 = arith.constant 0 : i32
    %dma_start3A_4 = tpu.memref_slice %arg5[%dma_start3A, %dma_start3A_3] : memref<101x128xf32, #tpu.memory_space<hbm>> -> memref<101x128xf32, #tpu.memory_space<hbm>>
    tpu.enqueue_indirect_dma source(%dma_start3A_4 : memref<101x128xf32, #tpu.memory_space<hbm>>) target(%arg13 : memref<320x128xf32, #tpu.memory_space<vmem>>) offsets(%arg12 : memref<320xi32, #tpu.memory_space<vmem>>) semaphore(%arg14 : memref<!tpu.dma_semaphore, #tpu.memory_space<semaphore_mem>>)
    %mul3A_5 = arith.constant 10000 : i32
    %mul3A_6 = arith.muli %add3A, %mul3A_5 : i32
    "tpu.region"() ({
      %run_scoped3A = tpu.sem_alloc : memref<!tpu.dma_semaphore, #tpu.memory_space<semaphore_mem>>
      tpu.enqueue_dma source(%arg2 : memref<30000xf32, #tpu.memory_space<hbm>>) target(%arg8 : memref<30000xf32, #tpu.memory_space<vmem>>) target_semaphore(%run_scoped3A : memref<!tpu.dma_semaphore, #tpu.memory_space<semaphore_mem>>)
      tpu.wait_dma2 semaphore(%run_scoped3A : memref<!tpu.dma_semaphore, #tpu.memory_space<semaphore_mem>>) src(%arg2 : memref<30000xf32, #tpu.memory_space<hbm>>) dst(%arg8 : memref<30000xf32, #tpu.memory_space<vmem>>)
      tpu.yield
    }) : () -> ()
    "tpu.region"() ({
      %run_scoped3A = tpu.sem_alloc : memref<!tpu.dma_semaphore, #tpu.memory_space<semaphore_mem>>
      %dma_start3A_20 = tpu.memref_slice %arg3[%mul3A_6] : memref<640000xi32, #tpu.memory_space<hbm>> -> memref<10000xi32, #tpu.memory_space<hbm>>
      %dma_start3A_21 = tpu.memref_slice %arg3[%mul3A_6] : memref<640000xi32, #tpu.memory_space<hbm>> -> memref<10000xi32, #tpu.memory_space<hbm>>
      tpu.enqueue_dma source(%dma_start3A_21 : memref<10000xi32, #tpu.memory_space<hbm>>) target(%arg9 : memref<10000xi32, #tpu.memory_space<vmem>>) target_semaphore(%run_scoped3A : memref<!tpu.dma_semaphore, #tpu.memory_space<semaphore_mem>>)
      %dma_wait3A_22 = tpu.memref_slice %arg3[%mul3A_6] : memref<640000xi32, #tpu.memory_space<hbm>> -> memref<10000xi32, #tpu.memory_space<hbm>>
      %dma_wait3A_23 = tpu.memref_slice %arg3[%mul3A_6] : memref<640000xi32, #tpu.memory_space<hbm>> -> memref<10000xi32, #tpu.memory_space<hbm>>
      tpu.wait_dma2 semaphore(%run_scoped3A : memref<!tpu.dma_semaphore, #tpu.memory_space<semaphore_mem>>) src(%dma_wait3A_23 : memref<10000xi32, #tpu.memory_space<hbm>>) dst(%arg9 : memref<10000xi32, #tpu.memory_space<vmem>>)
      tpu.yield
    }) : () -> ()
    %add3A_7 = arith.constant 320000 : i32
    %add3A_8 = arith.addi %add3A_7, %mul3A_6 : i32
    "tpu.region"() ({
      %run_scoped3A = tpu.sem_alloc : memref<!tpu.dma_semaphore, #tpu.memory_space<semaphore_mem>>
      %dma_start3A_20 = tpu.memref_slice %arg3[%add3A_8] : memref<640000xi32, #tpu.memory_space<hbm>> -> memref<10000xi32, #tpu.memory_space<hbm>>
      %dma_start3A_21 = tpu.memref_slice %arg3[%add3A_8] : memref<640000xi32, #tpu.memory_space<hbm>> -> memref<10000xi32, #tpu.memory_space<hbm>>
      tpu.enqueue_dma source(%dma_start3A_21 : memref<10000xi32, #tpu.memory_space<hbm>>) target(%arg10 : memref<10000xi32, #tpu.memory_space<vmem>>) target_semaphore(%run_scoped3A : memref<!tpu.dma_semaphore, #tpu.memory_space<semaphore_mem>>)
      %dma_wait3A_22 = tpu.memref_slice %arg3[%add3A_8] : memref<640000xi32, #tpu.memory_space<hbm>> -> memref<10000xi32, #tpu.memory_space<hbm>>
      %dma_wait3A_23 = tpu.memref_slice %arg3[%add3A_8] : memref<640000xi32, #tpu.memory_space<hbm>> -> memref<10000xi32, #tpu.memory_space<hbm>>
      tpu.wait_dma2 semaphore(%run_scoped3A : memref<!tpu.dma_semaphore, #tpu.memory_space<semaphore_mem>>) src(%dma_wait3A_23 : memref<10000xi32, #tpu.memory_space<hbm>>) dst(%arg10 : memref<10000xi32, #tpu.memory_space<vmem>>)
      tpu.yield
    }) : () -> ()
    %broadcast_in_dim3A = arith.constant 3 : i32
    %broadcast_in_dim3A_9 = vector.broadcast %broadcast_in_dim3A : i32 to vector<16xi32>
    %parallel_loop3A = arith.constant 0 : i32
    %parallel_loop3A_10 = arith.constant 625 : i32
    %parallel_loop3A_11 = arith.constant 1 : i32
    scf.for %parallel_loop3A_20 = %parallel_loop3A to %parallel_loop3A_10 step %parallel_loop3A_11  : i32 {
      %parallel_loop3A_21 = arith.constant 16 : i32
      %parallel_loop3A_22 = arith.muli %parallel_loop3A_20, %parallel_loop3A_21 : i32
      %parallel_loop3A_23 = arith.index_cast %parallel_loop3A_22 : i32 to index
      %parallel_loop3A_24 = tpu.vector_load %arg9[%parallel_loop3A_23] {strides = array<i32>} : memref<10000xi32, #tpu.memory_space<vmem>>, vector<16xi32>,
      %parallel_loop3A_25 = arith.muli %parallel_loop3A_24, %broadcast_in_dim3A_9 : vector<16xi32>
      %parallel_loop3A_26 = arith.index_cast %parallel_loop3A_22 : i32 to index
      %parallel_loop3A_27 = tpu.vector_load %arg10[%parallel_loop3A_26] {strides = array<i32>} : memref<10000xi32, #tpu.memory_space<vmem>>, vector<16xi32>,
      %parallel_loop3A_28 = arith.muli %parallel_loop3A_27, %broadcast_in_dim3A_9 : vector<16xi32>
      %parallel_loop3A_29 = arith.constant 0.000000e+00 : f32
      %parallel_loop3A_30 = vector.broadcast %parallel_loop3A_29 : f32 to vector<16xf32>
      %parallel_loop3A_31 = arith.constant 0 : i32
      %parallel_loop3A_32 = vector.broadcast %parallel_loop3A_31 : i32 to vector<16xi32>
      %parallel_loop3A_33 = arith.addi %parallel_loop3A_25, %parallel_loop3A_32 : vector<16xi32>
      %parallel_loop3A_34 = tpu.vector_load_idx %arg8[%parallel_loop3A_33] : memref<30000xf32, #tpu.memory_space<vmem>>[vector<16xi32>], vector<16xf32>,
      %parallel_loop3A_35 = arith.addi %parallel_loop3A_28, %parallel_loop3A_32 : vector<16xi32>
      %parallel_loop3A_36 = tpu.vector_load_idx %arg8[%parallel_loop3A_35] : memref<30000xf32, #tpu.memory_space<vmem>>[vector<16xi32>], vector<16xf32>,
      %parallel_loop3A_37 = arith.subf %parallel_loop3A_34, %parallel_loop3A_36 : vector<16xf32>
      %parallel_loop3A_38 = arith.mulf %parallel_loop3A_37, %parallel_loop3A_37 : vector<16xf32>
      %parallel_loop3A_39 = arith.addf %parallel_loop3A_30, %parallel_loop3A_38 : vector<16xf32>
      %parallel_loop3A_40 = arith.constant 1 : i32
      %parallel_loop3A_41 = vector.broadcast %parallel_loop3A_40 : i32 to vector<16xi32>
      %parallel_loop3A_42 = arith.addi %parallel_loop3A_25, %parallel_loop3A_41 : vector<16xi32>
      %parallel_loop3A_43 = tpu.vector_load_idx %arg8[%parallel_loop3A_42] : memref<30000xf32, #tpu.memory_space<vmem>>[vector<16xi32>], vector<16xf32>,
      %parallel_loop3A_44 = arith.addi %parallel_loop3A_28, %parallel_loop3A_41 : vector<16xi32>
      %parallel_loop3A_45 = tpu.vector_load_idx %arg8[%parallel_loop3A_44] : memref<30000xf32, #tpu.memory_space<vmem>>[vector<16xi32>], vector<16xf32>,
      %parallel_loop3A_46 = arith.subf %parallel_loop3A_43, %parallel_loop3A_45 : vector<16xf32>
      %parallel_loop3A_47 = arith.mulf %parallel_loop3A_46, %parallel_loop3A_46 : vector<16xf32>
      %parallel_loop3A_48 = arith.addf %parallel_loop3A_39, %parallel_loop3A_47 : vector<16xf32>
      %parallel_loop3A_49 = arith.constant 2 : i32
      %parallel_loop3A_50 = vector.broadcast %parallel_loop3A_49 : i32 to vector<16xi32>
      %parallel_loop3A_51 = arith.addi %parallel_loop3A_25, %parallel_loop3A_50 : vector<16xi32>
      %parallel_loop3A_52 = tpu.vector_load_idx %arg8[%parallel_loop3A_51] : memref<30000xf32, #tpu.memory_space<vmem>>[vector<16xi32>], vector<16xf32>,
      %parallel_loop3A_53 = arith.addi %parallel_loop3A_28, %parallel_loop3A_50 : vector<16xi32>
      %parallel_loop3A_54 = tpu.vector_load_idx %arg8[%parallel_loop3A_53] : memref<30000xf32, #tpu.memory_space<vmem>>[vector<16xi32>], vector<16xf32>,
      %parallel_loop3A_55 = arith.subf %parallel_loop3A_52, %parallel_loop3A_54 : vector<16xf32>
      %parallel_loop3A_56 = arith.mulf %parallel_loop3A_55, %parallel_loop3A_55 : vector<16xf32>
      %parallel_loop3A_57 = arith.addf %parallel_loop3A_48, %parallel_loop3A_56 : vector<16xf32>
      %parallel_loop3A_58 = arith.index_cast %parallel_loop3A_22 : i32 to index
      %parallel_loop3A_59 = tpu.vector_load %arg11[%parallel_loop3A_58] {strides = array<i32>} : memref<10000xf32, #tpu.memory_space<vmem>>, vector<16xf32>,
      tpu.vector_store %arg11[%parallel_loop3A_58], %parallel_loop3A_57 {strides = array<i32>} : memref<10000xf32, #tpu.memory_space<vmem>>, vector<16xf32>,
    } {sc.loop_unroll_factor = 8 : i64, sc.parallel_access}
    "tpu.region"() ({
      %run_scoped3A = tpu.sem_alloc : memref<!tpu.dma_semaphore, #tpu.memory_space<semaphore_mem>>
      %dma_start3A_20 = tpu.memref_slice %arg6[%mul3A_6] : memref<320000xf32, #tpu.memory_space<hbm>> -> memref<10000xf32, #tpu.memory_space<hbm>>
      %dma_start3A_21 = tpu.memref_slice %arg6[%mul3A_6] : memref<320000xf32, #tpu.memory_space<hbm>> -> memref<10000xf32, #tpu.memory_space<hbm>>
      tpu.enqueue_dma source(%arg11 : memref<10000xf32, #tpu.memory_space<vmem>>) target(%dma_start3A_21 : memref<10000xf32, #tpu.memory_space<hbm>>) target_semaphore(%run_scoped3A : memref<!tpu.dma_semaphore, #tpu.memory_space<semaphore_mem>>)
      %dma_wait3A_22 = tpu.memref_slice %arg6[%mul3A_6] : memref<320000xf32, #tpu.memory_space<hbm>> -> memref<10000xf32, #tpu.memory_space<hbm>>
      %dma_wait3A_23 = tpu.memref_slice %arg6[%mul3A_6] : memref<320000xf32, #tpu.memory_space<hbm>> -> memref<10000xf32, #tpu.memory_space<hbm>>
      tpu.wait_dma2 semaphore(%run_scoped3A : memref<!tpu.dma_semaphore, #tpu.memory_space<semaphore_mem>>) src(%arg11 : memref<10000xf32, #tpu.memory_space<vmem>>) dst(%dma_wait3A_23 : memref<10000xf32, #tpu.memory_space<hbm>>)
      tpu.yield
    }) : () -> ()
    %dma_wait3A = arith.constant 0 : i32
    %dma_wait3A_12 = arith.constant 0 : i32
    %dma_wait3A_13 = tpu.memref_slice %arg5[%dma_wait3A, %dma_wait3A_12] : memref<101x128xf32, #tpu.memory_space<hbm>> -> memref<101x128xf32, #tpu.memory_space<hbm>>
    tpu.wait_indirect_dma semaphore(%arg14 : memref<!tpu.dma_semaphore, #tpu.memory_space<semaphore_mem>>) src(%dma_wait3A_13 : memref<101x128xf32, #tpu.memory_space<hbm>>) dst(%arg13 : memref<320x128xf32, #tpu.memory_space<vmem>>)
    %lt3A = arith.constant 31 : i32
    %lt3A_14 = arith.cmpi slt, %add3A, %lt3A : i32
    %convert_element_type3A = arith.extui %lt3A_14 : i1 to i32
    %cond3A = arith.constant 0 : i32
    %cond3A_15 = arith.cmpi ne, %convert_element_type3A, %cond3A : i32
    scf.if %cond3A_15 {
      "tpu.region"() ({
        %run_scoped3A = tpu.sem_alloc : memref<!tpu.dma_semaphore, #tpu.memory_space<semaphore_mem>>
        %dma_start3A_20 = arith.constant 0 : i32
        %dma_start3A_21 = tpu.memref_slice %arg7[%mul3A_2, %dma_start3A_20] : memref<10000x128xf32, #tpu.memory_space<hbm>> -> memref<320x128xf32, #tpu.memory_space<hbm>>
        %dma_start3A_22 = arith.constant 0 : i32
        %dma_start3A_23 = tpu.memref_slice %arg7[%mul3A_2, %dma_start3A_22] : memref<10000x128xf32, #tpu.memory_space<hbm>> -> memref<320x128xf32, #tpu.memory_space<hbm>>
        tpu.enqueue_dma source(%arg13 : memref<320x128xf32, #tpu.memory_space<vmem>>) target(%dma_start3A_23 : memref<320x128xf32, #tpu.memory_space<hbm>>) target_semaphore(%run_scoped3A : memref<!tpu.dma_semaphore, #tpu.memory_space<semaphore_mem>>)
        %dma_wait3A_24 = arith.constant 0 : i32
        %dma_wait3A_25 = tpu.memref_slice %arg7[%mul3A_2, %dma_wait3A_24] : memref<10000x128xf32, #tpu.memory_space<hbm>> -> memref<320x128xf32, #tpu.memory_space<hbm>>
        %dma_wait3A_26 = arith.constant 0 : i32
        %dma_wait3A_27 = tpu.memref_slice %arg7[%mul3A_2, %dma_wait3A_26] : memref<10000x128xf32, #tpu.memory_space<hbm>> -> memref<320x128xf32, #tpu.memory_space<hbm>>
        tpu.wait_dma2 semaphore(%run_scoped3A : memref<!tpu.dma_semaphore, #tpu.memory_space<semaphore_mem>>) src(%arg13 : memref<320x128xf32, #tpu.memory_space<vmem>>) dst(%dma_wait3A_27 : memref<320x128xf32, #tpu.memory_space<hbm>>)
        tpu.yield
      }) : () -> ()
    } else {
    }
    %eq3A = arith.constant 31 : i32
    %eq3A_16 = arith.cmpi eq, %add3A, %eq3A : i32
    %convert_element_type3A_17 = arith.extui %eq3A_16 : i1 to i32
    %cond3A_18 = arith.constant 0 : i32
    %cond3A_19 = arith.cmpi ne, %convert_element_type3A_17, %cond3A_18 : i32
    scf.if %cond3A_19 {
      "tpu.region"() ({
        %run_scoped3A = tpu.sem_alloc : memref<!tpu.dma_semaphore, #tpu.memory_space<semaphore_mem>>
        %dma_start3A_20 = arith.constant 0 : i32
        %dma_start3A_21 = arith.constant 0 : i32
        %dma_start3A_22 = tpu.memref_slice %arg13[%dma_start3A_20, %dma_start3A_21] : memref<320x128xf32, #tpu.memory_space<vmem>> -> memref<80x128xf32, #tpu.memory_space<vmem>>
        %dma_start3A_23 = arith.constant 0 : i32
        %dma_start3A_24 = tpu.memref_slice %arg7[%mul3A_2, %dma_start3A_23] : memref<10000x128xf32, #tpu.memory_space<hbm>> -> memref<80x128xf32, #tpu.memory_space<hbm>>
        %dma_start3A_25 = arith.constant 0 : i32
        %dma_start3A_26 = tpu.memref_slice %arg7[%mul3A_2, %dma_start3A_25] : memref<10000x128xf32, #tpu.memory_space<hbm>> -> memref<80x128xf32, #tpu.memory_space<hbm>>
        %dma_start3A_27 = arith.constant 0 : i32
        %dma_start3A_28 = arith.constant 0 : i32
        %dma_start3A_29 = tpu.memref_slice %arg13[%dma_start3A_27, %dma_start3A_28] : memref<320x128xf32, #tpu.memory_space<vmem>> -> memref<80x128xf32, #tpu.memory_space<vmem>>
        tpu.enqueue_dma source(%dma_start3A_29 : memref<80x128xf32, #tpu.memory_space<vmem>>) target(%dma_start3A_26 : memref<80x128xf32, #tpu.memory_space<hbm>>) target_semaphore(%run_scoped3A : memref<!tpu.dma_semaphore, #tpu.memory_space<semaphore_mem>>)
        %dma_wait3A_30 = arith.constant 0 : i32
        %dma_wait3A_31 = arith.constant 0 : i32
        %dma_wait3A_32 = tpu.memref_slice %arg13[%dma_wait3A_30, %dma_wait3A_31] : memref<320x128xf32, #tpu.memory_space<vmem>> -> memref<80x128xf32, #tpu.memory_space<vmem>>
        %dma_wait3A_33 = arith.constant 0 : i32
        %dma_wait3A_34 = tpu.memref_slice %arg7[%mul3A_2, %dma_wait3A_33] : memref<10000x128xf32, #tpu.memory_space<hbm>> -> memref<80x128xf32, #tpu.memory_space<hbm>>
        %dma_wait3A_35 = arith.constant 0 : i32
        %dma_wait3A_36 = tpu.memref_slice %arg7[%mul3A_2, %dma_wait3A_35] : memref<10000x128xf32, #tpu.memory_space<hbm>> -> memref<80x128xf32, #tpu.memory_space<hbm>>
        %dma_wait3A_37 = arith.constant 0 : i32
        %dma_wait3A_38 = arith.constant 0 : i32
        %dma_wait3A_39 = tpu.memref_slice %arg13[%dma_wait3A_37, %dma_wait3A_38] : memref<320x128xf32, #tpu.memory_space<vmem>> -> memref<80x128xf32, #tpu.memory_space<vmem>>
        tpu.wait_dma2 semaphore(%run_scoped3A : memref<!tpu.dma_semaphore, #tpu.memory_space<semaphore_mem>>) src(%dma_wait3A_39 : memref<80x128xf32, #tpu.memory_space<vmem>>) dst(%dma_wait3A_36 : memref<80x128xf32, #tpu.memory_space<hbm>>)
        tpu.yield
      }) : () -> ()
    } else {
    }
    return
  }
}

module attributes {stable_mosaic.version = 14 : i64} {
  func.func @_pre_body(%arg0: memref<2500x128xf32, #tpu.memory_space<vmem>>, %arg1: memref<20000x128xbf16, #tpu.memory_space<vmem>>) attributes {dimension_semantics = [], scalar_prefetch = 0 : i64, scratch_operands = 0 : i64, tpu.core_type = #tpu.core_type<tc>} {
    %get3A = arith.constant 0 : index
    %get3A_0 = arith.constant 0 : index
    %get3A_1 = vector.load %arg0[%get3A, %get3A_0] : memref<2500x128xf32, #tpu.memory_space<vmem>>, vector<2500x128xf32>
    %add3A = arith.constant 9.99999996E-13 : f32
    %add3A_2 = vector.broadcast %add3A : f32 to vector<2500x128xf32>
    %add3A_3 = arith.addf %get3A_1, %add3A_2 : vector<2500x128xf32>
    %sqrt3A = math.sqrt %add3A_3 : vector<2500x128xf32>
    %mul3A = arith.constant 3.14159274 : f32
    %mul3A_4 = vector.broadcast %mul3A : f32 to vector<2500x128xf32>
    %mul3A_5 = arith.mulf %mul3A_4, %sqrt3A : vector<2500x128xf32>
    %div3A = arith.constant 5.000000e+00 : f32
    %div3A_6 = vector.broadcast %div3A : f32 to vector<2500x128xf32>
    %div3A_7 = arith.divf %mul3A_5, %div3A_6 : vector<2500x128xf32>
    %cos3A = math.cos %div3A_7 : vector<2500x128xf32>
    %add3A_8 = arith.constant 1.000000e+00 : f32
    %add3A_9 = vector.broadcast %add3A_8 : f32 to vector<2500x128xf32>
    %add3A_10 = arith.addf %cos3A, %add3A_9 : vector<2500x128xf32>
    %mul3A_11 = arith.constant 5.000000e-01 : f32
    %mul3A_12 = vector.broadcast %mul3A_11 : f32 to vector<2500x128xf32>
    %mul3A_13 = arith.mulf %mul3A_12, %add3A_10 : vector<2500x128xf32>
    %lt3A = arith.constant 5.000000e+00 : f32
    %lt3A_14 = vector.broadcast %lt3A : f32 to vector<2500x128xf32>
    %lt3A_15 = arith.cmpf olt, %sqrt3A, %lt3A_14 : vector<2500x128xf32>
    %jit3A = arith.constant 0.000000e+00 : f32
    %broadcast_in_dim3A = vector.broadcast %jit3A : f32 to vector<2500x128xf32>
    %select_n3A = arith.select %lt3A_15, %mul3A_13, %broadcast_in_dim3A : vector<2500x128xi1>, vector<2500x128xf32>
    %max3A = arith.constant 9.99999991E-38 : f32
    %max3A_16 = vector.broadcast %max3A : f32 to vector<2500x128xf32>
    %max3A_17 = arith.maximumf %select_n3A, %max3A_16 : vector<2500x128xf32>
    %mul3A_18 = arith.constant 2.000000e+01 : f32
    %mul3A_19 = vector.broadcast %mul3A_18 : f32 to vector<2500x128xf32>
    %mul3A_20 = arith.mulf %mul3A_19, %sqrt3A : vector<2500x128xf32>
    %log3A = math.log %max3A_17 : vector<2500x128xf32>
    %mul3A_21 = arith.mulf %sqrt3A, %sqrt3A : vector<2500x128xf32>
    %mul3A_22 = arith.constant 1.000000e+01 : f32
    %mul3A_23 = vector.broadcast %mul3A_22 : f32 to vector<2500x128xf32>
    %mul3A_24 = arith.mulf %mul3A_23, %mul3A_21 : vector<2500x128xf32>
    %sub3A = arith.subf %log3A, %mul3A_24 : vector<2500x128xf32>
    %convert_element_type3A = arith.truncf %mul3A_20 : vector<2500x128xf32> to vector<2500x128xbf16>
    %convert_element_type3A_25 = arith.extf %convert_element_type3A : vector<2500x128xbf16> to vector<2500x128xf32>
    %sub3A_26 = arith.subf %mul3A_20, %convert_element_type3A_25 : vector<2500x128xf32>
    %convert_element_type3A_27 = arith.truncf %sub3A_26 : vector<2500x128xf32> to vector<2500x128xbf16>
    %convert_element_type3A_28 = arith.extf %convert_element_type3A_27 : vector<2500x128xbf16> to vector<2500x128xf32>
    %sub3A_29 = arith.subf %sub3A_26, %convert_element_type3A_28 : vector<2500x128xf32>
    %convert_element_type3A_30 = arith.truncf %sub3A_29 : vector<2500x128xf32> to vector<2500x128xbf16>
    %convert_element_type3A_31 = arith.truncf %sub3A : vector<2500x128xf32> to vector<2500x128xbf16>
    %convert_element_type3A_32 = arith.extf %convert_element_type3A_31 : vector<2500x128xbf16> to vector<2500x128xf32>
    %sub3A_33 = arith.subf %sub3A, %convert_element_type3A_32 : vector<2500x128xf32>
    %convert_element_type3A_34 = arith.truncf %sub3A_33 : vector<2500x128xf32> to vector<2500x128xbf16>
    %convert_element_type3A_35 = arith.extf %convert_element_type3A_34 : vector<2500x128xbf16> to vector<2500x128xf32>
    %sub3A_36 = arith.subf %sub3A_33, %convert_element_type3A_35 : vector<2500x128xf32>
    %convert_element_type3A_37 = arith.truncf %sub3A_36 : vector<2500x128xf32> to vector<2500x128xbf16>
    %swap3A = arith.constant 0 : index
    %swap3A_38 = arith.constant 0 : index
    %swap3A_39 = vector.load %arg1[%swap3A, %swap3A_38] : memref<20000x128xbf16, #tpu.memory_space<vmem>>, vector<2500x128xbf16>
    tpu.vector_store %arg1[%swap3A, %swap3A_38], %convert_element_type3A {strides = array<i32>} : memref<20000x128xbf16, #tpu.memory_space<vmem>>, vector<2500x128xbf16>,
    %swap3A_40 = arith.constant 2500 : index
    %swap3A_41 = arith.constant 0 : index
    %swap3A_42 = vector.load %arg1[%swap3A_40, %swap3A_41] : memref<20000x128xbf16, #tpu.memory_space<vmem>>, vector<2500x128xbf16>
    tpu.vector_store %arg1[%swap3A_40, %swap3A_41], %convert_element_type3A {strides = array<i32>} : memref<20000x128xbf16, #tpu.memory_space<vmem>>, vector<2500x128xbf16>,
    %swap3A_43 = arith.constant 5000 : index
    %swap3A_44 = arith.constant 0 : index
    %swap3A_45 = vector.load %arg1[%swap3A_43, %swap3A_44] : memref<20000x128xbf16, #tpu.memory_space<vmem>>, vector<2500x128xbf16>
    tpu.vector_store %arg1[%swap3A_43, %swap3A_44], %convert_element_type3A_27 {strides = array<i32>} : memref<20000x128xbf16, #tpu.memory_space<vmem>>, vector<2500x128xbf16>,
    %swap3A_46 = arith.constant 7500 : index
    %swap3A_47 = arith.constant 0 : index
    %swap3A_48 = vector.load %arg1[%swap3A_46, %swap3A_47] : memref<20000x128xbf16, #tpu.memory_space<vmem>>, vector<2500x128xbf16>
    tpu.vector_store %arg1[%swap3A_46, %swap3A_47], %convert_element_type3A_27 {strides = array<i32>} : memref<20000x128xbf16, #tpu.memory_space<vmem>>, vector<2500x128xbf16>,
    %swap3A_49 = arith.constant 10000 : index
    %swap3A_50 = arith.constant 0 : index
    %swap3A_51 = vector.load %arg1[%swap3A_49, %swap3A_50] : memref<20000x128xbf16, #tpu.memory_space<vmem>>, vector<2500x128xbf16>
    tpu.vector_store %arg1[%swap3A_49, %swap3A_50], %convert_element_type3A_30 {strides = array<i32>} : memref<20000x128xbf16, #tpu.memory_space<vmem>>, vector<2500x128xbf16>,
    %swap3A_52 = arith.constant 12500 : index
    %swap3A_53 = arith.constant 0 : index
    %swap3A_54 = vector.load %arg1[%swap3A_52, %swap3A_53] : memref<20000x128xbf16, #tpu.memory_space<vmem>>, vector<2500x128xbf16>
    tpu.vector_store %arg1[%swap3A_52, %swap3A_53], %convert_element_type3A_31 {strides = array<i32>} : memref<20000x128xbf16, #tpu.memory_space<vmem>>, vector<2500x128xbf16>,
    %swap3A_55 = arith.constant 15000 : index
    %swap3A_56 = arith.constant 0 : index
    %swap3A_57 = vector.load %arg1[%swap3A_55, %swap3A_56] : memref<20000x128xbf16, #tpu.memory_space<vmem>>, vector<2500x128xbf16>
    tpu.vector_store %arg1[%swap3A_55, %swap3A_56], %convert_element_type3A_34 {strides = array<i32>} : memref<20000x128xbf16, #tpu.memory_space<vmem>>, vector<2500x128xbf16>,
    %swap3A_58 = arith.constant 17500 : index
    %swap3A_59 = arith.constant 0 : index
    %swap3A_60 = vector.load %arg1[%swap3A_58, %swap3A_59] : memref<20000x128xbf16, #tpu.memory_space<vmem>>, vector<2500x128xbf16>
    tpu.vector_store %arg1[%swap3A_58, %swap3A_59], %convert_element_type3A_37 {strides = array<i32>} : memref<20000x128xbf16, #tpu.memory_space<vmem>>, vector<2500x128xbf16>,
    return
  }
}

module attributes {stable_mosaic.version = 14 : i64} {
  func.func @_rbf_body(%arg0: i32, %arg1: memref<8x12800xbf16, #tpu.memory_space<vmem>>, %arg2: memref<12800x128xf32, #tpu.memory_space<vmem>>) attributes {dimension_semantics = [#tpu.dimension_semantics<arbitrary>], iteration_bounds = array<i64: 25>, scalar_prefetch = 0 : i64, scratch_operands = 0 : i64, tpu.core_type = #tpu.core_type<tc>, window_params = [{transform_indices = @transform_0, window_bounds = array<i64: 8, 12800>}, {transform_indices = @transform_1, window_bounds = array<i64: 12800, 128>}]} {
    %get3A = arith.constant 0 : index
    %get3A_0 = arith.constant 0 : index
    %get3A_1 = vector.load %arg1[%get3A, %get3A_0] : memref<8x12800xbf16, #tpu.memory_space<vmem>>, vector<8x12800xbf16>
    %iota3A = tpu.iota {dimensions = array<i32: 1>} : vector<1x128xi32>
    %convert_element_type3A = arith.sitofp %iota3A : vector<1x128xi32> to vector<1x128xf32>
    %mul3A = arith.constant 0.0393700786 : f32
    %mul3A_2 = vector.broadcast %mul3A : f32 to vector<1x128xf32>
    %mul3A_3 = arith.mulf %convert_element_type3A, %mul3A_2 : vector<1x128xf32>
    %convert_element_type3A_4 = arith.truncf %mul3A_3 : vector<1x128xf32> to vector<1x128xbf16>
    %convert_element_type3A_5 = arith.extf %convert_element_type3A_4 : vector<1x128xbf16> to vector<1x128xf32>
    %sub3A = arith.subf %mul3A_3, %convert_element_type3A_5 : vector<1x128xf32>
    %convert_element_type3A_6 = arith.truncf %sub3A : vector<1x128xf32> to vector<1x128xbf16>
    %broadcast_in_dim3A = arith.constant 1.000000e+00 : bf16
    %broadcast_in_dim3A_7 = vector.broadcast %broadcast_in_dim3A : bf16 to vector<1x128xbf16>
    %concatenate3A = tpu.concatenate %convert_element_type3A_4, %convert_element_type3A_6, %convert_element_type3A_4, %convert_element_type3A_6, %convert_element_type3A_4, %broadcast_in_dim3A_7, %broadcast_in_dim3A_7, %broadcast_in_dim3A_7 in 0 : vector<1x128xbf16>, vector<1x128xbf16>, vector<1x128xbf16>, vector<1x128xbf16>, vector<1x128xbf16>, vector<1x128xbf16>, vector<1x128xbf16>, vector<1x128xbf16> -> vector<8x128xbf16>
    %dot_general3A = arith.constant dense<0.000000e+00> : vector<12800x128xf32>
    %dot_general3A_8 = tpu.matmul %get3A_1, %concatenate3A, %dot_general3A {dimension_numbers = #tpu.dot_dimension_numbers<[0], [0], [1], [1], [0, 1, 1, 1], [], []>, transpose_lhs_hint = false} : vector<8x12800xbf16>, vector<8x128xbf16>, vector<12800x128xf32> -> vector<12800x128xf32>
    %mul3A_9 = arith.mulf %mul3A_3, %mul3A_3 : vector<1x128xf32>
    %mul3A_10 = arith.constant 1.000000e+01 : f32
    %mul3A_11 = vector.broadcast %mul3A_10 : f32 to vector<1x128xf32>
    %mul3A_12 = arith.mulf %mul3A_11, %mul3A_9 : vector<1x128xf32>
    %sub3A_13 = vector.broadcast %mul3A_12 : vector<1x128xf32> to vector<12800x128xf32>
    %sub3A_14 = arith.subf %dot_general3A_8, %sub3A_13 : vector<12800x128xf32>
    %exp3A = math.exp %sub3A_14 : vector<12800x128xf32>
    %swap3A = arith.constant 0 : index
    %swap3A_15 = arith.constant 0 : index
    %swap3A_16 = vector.load %arg2[%swap3A, %swap3A_15] : memref<12800x128xf32, #tpu.memory_space<vmem>>, vector<12800x128xf32>
    tpu.vector_store %arg2[%swap3A, %swap3A_15], %exp3A {strides = array<i32>} : memref<12800x128xf32, #tpu.memory_space<vmem>>, vector<12800x128xf32>,
    return
  }
  func.func @transform_0(%arg0: i32) -> (i32, i32) {
    %c0_i32 = arith.constant 0 : i32
    %c0_i32_0 = arith.constant 0 : i32
    return %c0_i32, %arg0 : i32, i32
  }
  func.func @transform_1(%arg0: i32) -> (i32, i32) {
    %c0_i32 = arith.constant 0 : i32
    %c0_i32_0 = arith.constant 0 : i32
    return %arg0, %c0_i32 : i32, i32
  }
}

</mosaic_0001>

<sc_bundles>
// kernel: kernel.5.cloned.1.call-start
scs
__scs_entry_jumppad:
0x0: {  	(pc) =	sbr.rel $0x88, $3  }
0x1: {  	(tag) =	ssettag $0x0;
	lr =	simm.s32 $0x1  }
0x2: {  	[smem:$0x3F9D] =	sst lr;
	_ =	strace $0xD0000000  }
0x3: {  	_ = 	snop  }
0x4: {  	_ = 	snop  }
0x5: {  	_ = 	snop  }
0x6: {  	_ = 	snop  }
0x7: {  	_ = 	snop  }
__scs_overlays_trampoline_lowered:
0x8: {  	[smem:$0x3FAC] =	sst s0  }
0x9: {  	[smem:$0x3FAD] =	sst s1  }
0xa: {  	[smem:$0x3FAE] =	sst s2  }
0xb: {  	[smem:$0x3FAF] =	sst s3  }
0xc: {  	[smem:$0x3FB0] =	sst s4  }
0xd: {  	[smem:$0x3FB1] =	sst s5  }
0xe: {  	[smem:$0x3FB2] =	sst s6  }
0xf: {  	[smem:$0x3FB3] =	sst s7  }
0x10: {  	[smem:$0x3FB4] =	sst s8  }
0x11: {  	[smem:$0x3FB5] =	sst s9;
	s0 =	simm.s32 @!p0 $0x0  }
0x12: {  	s1 =	sld [smem:$0x3F9B];
	s0 =	simm.s32 @p0 $0x1  }
0x13: {  	[smem:$0x3FB6] =	sst s0;
	s0 =	simm.s32 @!p1 $0x0  }
0x14: {  	s2 =	sld [smem:$0x3F9A];
	s0 =	simm.s32 @p1 $0x1  }
0x15: {  	[smem:$0x3FB7] =	sst s0;
	s0 =	simm.s32 @!p2 $0x0  }
0x16: {  	s3 =	sld [smem:$0x3FDB];
	s0 =	simm.s32 @p2 $0x1  }
0x17: {  	s4 =	simm.s32 $0x1BF5;
	[smem:$0x3FB9] =	sst s0  }
0x18: {  	s0 =	sld [smem:$0x3F9C];
	_ =	swait.ge [sflag:s4], $0x0  }
0x19: {  	s7 =	sld [smem:$0x3F9D]  }
0x1a: {  	s8 =	sadd.s32 $0xFFFFE003, lr  }
0x1b: {  	s9 =	sadd.s32 $0xFFFFFEF7, lr;
	s5 =	simm.s32 $0xFFFFFFFF;
	p2 =	slt.u32 s8, $0xFFFFF086  }
0x1c: {  	p1 =	slt.u32 s9, $0xF7A;
	s5 =	simm.s32 @!p2 $0x0  }
0x1d: {  	s5 =	simm.s32 @p1 $0x1;
	p0 =	seq.s32 s7, s2  }
0x1e: {  	s7 =	smul.u32 @!p0 $0xF7A, s2;
	p2 =	seq.s32 @!p0 s5, $0x0  }
0x1f: {  	s9 =	smul.u32 $0xF7A, s1;
	s8 =	simm.s32 @!p0 $0x1BF5;
	p2 =	por !p2, p0  }
0x20: {  	[sflag:s8] =	ssyncset.s32 @!p0 $0xFFFFF086;
	s6 =	sadd.s32 @!p0 s3, s7;
	s7 =	simm.s32 @!p0 $0x108  }
0x21: {  	s3 =	sadd.s32 s3, s9;
	s6 =	sadd.s32 @!p0 $0x88, s6;
	s7 =	simm.s32 @p2 $0x1082  }
0x22: {  	[simem:s7], [sflag:s8] =	dma.local @!p0 [hbm:s6], $0xF7A  }
0x23: {  	s9 =	sor.u32 $0xD0000000, s2;
	s6 =	simm.s32 $0x108;
	_ =	swait.ge @!p0 [sflag:s8], $0x0  }
0x24: {  	s3 =	sadd.s32 $0x88, s3;
	s6 =	simm.s32 @!p1 $0x1082;
	[sflag:s4] =	ssyncset.s32 $0xFFFFF086  }
0x25: {  	[simem:s6], [sflag:s4] =	dma.local [hbm:s3], $0xF7A  }
0x26: {  	[smem:$0x3F9D] =	sst s1;
	(tag) =	ssettag s2;
	_ =	strace s9  }
0x27: {  	s1 =	sld [smem:$0x3FAD]  }
0x28: {  	s2 =	sld [smem:$0x3FAE]  }
0x29: {  	s4 =	sld [smem:$0x3FB0]  }
0x2a: {  	p0 =	seq.s32 s5, $0x0;
	s5 =	sld [smem:$0x3FB1]  }
0x2b: {  	s6 =	sld [smem:$0x3FB2]  }
0x2c: {  	s7 =	sld [smem:$0x3FB3]  }
0x2d: {  	s3 =	simm.s32 $0x108;
	s8 =	sld [smem:$0x3FB4]  }
0x2e: {  	s3 =	simm.s32 @!p0 $0x1082;
	s9 =	sld [smem:$0x3FB5]  }
0x2f: {  	lr =	sadd.s32 s0, s3;
	s0 =	sld [smem:$0x3FAC]  }
0x30: {  	s3 =	sld [smem:$0x3FAF]  }
0x31: {  	[smem:$0x3FB8] =	sst s10  }
0x32: {  	s10 =	sld [smem:$0x3FB6];
	_ =	sdelay $0x3  }
0x33: {  	p0 =	seq.s32 s10, $0x1;
	s10 =	sld [smem:$0x3FB8];
	_ =	sdelay $0x3  }
0x34: {  	[smem:$0x3FB8] =	sst s10  }
0x35: {  	s10 =	sld [smem:$0x3FB7];
	_ =	sdelay $0x3  }
0x36: {  	p1 =	seq.s32 s10, $0x1;
	s10 =	sld [smem:$0x3FB8];
	_ =	sdelay $0x3  }
0x37: {  	[smem:$0x3FB8] =	sst s10  }
0x38: {  	s10 =	sld [smem:$0x3FB9]  }
0x39: {  	_ = 	snop;
	(pc) =	sbr.ind lr, $3  }
0x3a: {  	_ = 	snop  }
0x3b: {  	_ = 	snop  }
0x3c: {  	p2 =	seq.s32 s10, $0x1;
	s10 =	sld [smem:$0x3FB8]  }
0x3d: {  	_ =	shalt  }
0x3e: {  	_ =	shalt  }
0x3f: {  	_ =	shalt  }
0x40: {  	_ =	shalt  }
0x41: {  	_ =	shalt  }
0x42: {  	_ =	shalt  }
0x43: {  	_ =	shalt  }
0x44: {  	_ =	shalt  }
0x45: {  	_ =	shalt  }
0x46: {  	_ =	shalt  }
0x47: {  	_ =	shalt  }
0x48: {  	_ =	shalt  }
0x49: {  	_ =	shalt  }
0x4a: {  	_ =	shalt  }
0x4b: {  	_ =	shalt  }
0x4c: {  	_ =	shalt  }
0x4d: {  	_ =	shalt  }
0x4e: {  	_ =	shalt  }
0x4f: {  	_ =	shalt  }
0x50: {  	_ =	shalt  }
0x51: {  	_ =	shalt  }
0x52: {  	_ =	shalt  }
0x53: {  	_ =	shalt  }
0x54: {  	_ =	shalt  }
0x55: {  	_ =	shalt  }
0x56: {  	_ =	shalt  }
0x57: {  	_ =	shalt  }
0x58: {  	_ =	shalt  }
0x59: {  	_ =	shalt  }
0x5a: {  	_ =	shalt  }
0x5b: {  	_ =	shalt  }
0x5c: {  	_ =	shalt  }
0x5d: {  	_ =	shalt  }
0x5e: {  	_ =	shalt  }
0x5f: {  	_ =	shalt  }
0x60: {  	_ =	shalt  }
0x61: {  	_ =	shalt  }
0x62: {  	_ =	shalt  }
0x63: {  	_ =	shalt  }
0x64: {  	_ =	shalt  }
0x65: {  	_ =	shalt  }
0x66: {  	_ =	shalt  }
0x67: {  	_ =	shalt  }
0x68: {  	_ =	shalt  }
0x69: {  	_ =	shalt  }
0x6a: {  	_ =	shalt  }
0x6b: {  	_ =	shalt  }
0x6c: {  	_ =	shalt  }
0x6d: {  	_ =	shalt  }
0x6e: {  	_ =	shalt  }
0x6f: {  	_ =	shalt  }
0x70: {  	_ =	shalt  }
0x71: {  	_ =	shalt  }
0x72: {  	_ =	shalt  }
0x73: {  	_ =	shalt  }
0x74: {  	_ =	shalt  }
0x75: {  	_ =	shalt  }
0x76: {  	_ =	shalt  }
0x77: {  	_ =	shalt  }
0x78: {  	_ =	shalt  }
0x79: {  	_ =	shalt  }
0x7a: {  	_ =	shalt  }
0x7b: {  	_ =	shalt  }
0x7c: {  	_ =	shalt  }
0x7d: {  	_ =	shalt  }
0x7e: {  	_ =	shalt  }
0x7f: {  	_ =	shalt  }
0x80: {  	_ =	shalt  }
0x81: {  	_ =	shalt  }
0x82: {  	_ =	shalt  }
0x83: {  	_ =	shalt  }
0x84: {  	_ =	shalt  }
0x85: {  	_ =	shalt  }
0x86: {  	_ =	shalt  }
0x87: {  	_ =	shalt  }
.Lfunc_end0:
.L_simem_size_0:
called_computation_lowered:
.L_overlay_start_0:
0x88: {  	s2 =	sld [smem:$0x3FD9]  }
0x89: {  	s3 =	sld [smem:$0x3FFE];
	_ =	sdelay $0x1  }
0x8a: {  	s1 =	srdreg.scid  }
0x8b: {  	s0 =	sand.u32 $0x1, s1  }
0x8c: {  	s14 =	sshll.u32 s0, $0xA;
	s2 =	sadd.s32 s3, s2  }
0x8d: {  	s2 =	sadd.s32 s2, s14  }
0x8e: {  	[smem:$0x3FC4] =	sst s2  }
0x8f: {  	_ = 	snop  }
0x90: {  	s2 =	sld [smem:$0x3FD0];
	_ =	sdelay $0x2  }
0x91: {  	s4 =	simm.s32 $0xA;
	s5 =	simm.s32 $0x10;
	s15 =	sld [smem:$0x3FC6]  }
0x92: {  	[smem:s5], [sflag:s4] =	dma.local [hbm:s2], $0x1  }
0x93: {  	_ =	swait.eq [sflag:s4], $0x1  }
0x94: {  	s16 =	sld [smem:$0x10]  }
0x95: {  	s17 =	sld [smem:$0x11];
	[sflag:s4] =	ssyncset.done $0x0  }
0x96: {  	s6 =	sld [smem:$0x12];
	[sflag:s4] =	ssyncadd.s32 $0xFFFFFFFF  }
0x97: {  	s18 =	sld [smem:$0x13];
	(tm) =	ssettm $0x1  }
0x98: {  	s7 =	sld [smem:$0x3FFB];
	_ =	sdelay $0x3  }
0x99: {  	_ =	strace s7  }
0x9a: {  	s7 =	sld [smem:$0x3FFC];
	_ =	sdelay $0x3  }
0x9b: {  	_ =	strace s7  }
0x9c: {  	s7 =	sld [smem:$0x3FFD];
	_ =	sdelay $0x3  }
0x9d: {  	_ =	strace s7  }
0x9e: {  	_ =	strace $0x8FFFFFFF  }
0x9f: {  	s19 =	sld [smem:$0x3FDB];
	_ =	sdelay $0x1  }
0xa0: {  	s8 =	simm.s32 $_scs_section_size  }
0xa1: {  	s9 =	simm.s32 $_size__tile_overlayer_lowered;
	s10 =	simm.s32 $_tile_overlayer_lowered  }
0xa2: {  	s22 =	simm.s32 $0x1BFF;
	s21 =	sshll.u32 s10, $0x1;
	s7 =	sadd.s32 s8, s19  }
0xa3: {  	s11 =	simm.s32 $0x0;
	s20 =	sshll.u32 s9, $0x1;
	s9 =	sadd.s32 s21, s7  }
0xa4: {  	[timem:s11], [sflag:s22] =	dma.local [hbm:s9], s20  }
0xa5: {  	_ =	swait.ge [sflag:s22], s20  }
0xa6: {  	s8 =	ssub.s32 $0x0, s20;
	[sflag:s22] =	ssyncset.done $0x0  }
0xa7: {  	[sflag:s22] =	ssyncadd.s32 s8;
	_ =	sdelay $0x1  }
0xa8: {  	s23 =	simm.s32 $0x1B8B  }
0xa9: {  	_ =	swait.ge [sflag:s23], $0x1  }
0xaa: {  	[sflag:s23] =	ssyncset.done $0x0  }
0xab: {  	s25 =	simm.s32 $0x1B8E;
	s24 =	sld [smem:$0x3FFE];
	[sflag:s23] =	ssyncadd.s32 $0xFFFFFFFF  }
0xac: {  	s26 =	simm.s32 $execute0_lowered;
	[smem:$0x3FD2] =	sst s25  }
0xad: {  	s9 =	sshll.u32 s26, $0x1;
	_ =	strace $0x80000046;
	[dreg:$0x1] =	wrdreg $0xFFFFFFFF  }
0xae: {  	s28 =	simm.s32 $_size_execute0_lowered;
	s7 =	sadd.s32 s7, s9;
	[dreg:$0x0] =	wrdreg $0x0  }
0xaf: {  	s9 =	sshll.u32 s28, $0x1;
	[dreg:$0x2] =	wrdreg s7  }
0xb0: {  	[dreg:$0x3] =	wrdreg s9  }
0xb1: {  	[dreg:$0x4] =	wrdreg $0xC0  }
0xb2: {  	_ =	task [dreg:s11], $0x5FFFF  }
0xb3: {  	[dreg:$0x1] =	wrdreg $0xFFFFFFFF  }
0xb4: {  	[dreg:$0x0] =	wrdreg $0x60  }
0xb5: {  	[dreg:$0x2] =	wrdreg s18  }
0xb6: {  	[dreg:$0x3] =	wrdreg s6  }
0xb7: {  	[dreg:$0x4] =	wrdreg s24  }
0xb8: {  	[dreg:$0x5] =	wrdreg s15  }
0xb9: {  	[dreg:$0x6] =	wrdreg s17  }
0xba: {  	[dreg:$0x7] =	wrdreg s16  }
0xbb: {  	[dreg:$0x8] =	wrdreg $0x9  }
0xbc: {  	_ =	task.clear_ibuf [dreg:s11], $0x9FFFF;
	_ =	strace $0x90000046  }
0xbd: {  	s29 =	simm.s32 $0x9;
	_ =	strace $0x80000048  }
0xbe: {  	_ =	swait.ge [sflag:s29], $0x1  }
0xbf: {  	[sflag:s29] =	ssyncadd.s32 $0xFFFFFFFF  }
0xc0: {  	_ =	strace $0x90000048  }
0xc1: {  	_ =	sfence  }
0xc2: {  	s30 =	sld [smem:$0x0];
	_ =	sdelay $0x2  }
0xc3: {  	s31 =	sshll.u32 s1, $0xD;
	s1 =	sshrl.u32 s1, $0x2  }
0xc4: {  	s3 =	sand.u32 $0x4000, s31;
	s1 =	sadd.s32 s1, s30  }
0xc5: {  	s0 =	sor.u32 s3, s0;
	s1 =	sshll.u32 s1, $0x11  }
0xc6: {  	s0 =	sor.u32 s1, s0  }
0xc7: {  	s0 =	sadd.s32 $0x8F2B, s0  }
0xc8: {  	[sflag:s0] =	ssyncadd.remote.s32 $0x1  }
0xc9: {  	_ =	sfence.sel $0xFFFF  }
0xca: {  	[dreg:$0x0] =	wrdreg $0xFFFFFFFF;
	(pc) =	sbr.abs _section_cstart, $3  }
0xcb: {  	[dreg:$0x1] =	wrdreg $0xFFFFFFFF  }
0xcc: {  	_ =	task.clear_ibuf [dreg:s11], $0x2FFFF;
	_ =	strace $0x9FFFFFFF  }
0xcd: {  	(tm) =	ssettm $0x7FFFFFFF  }
tec
execute0_lowered:
.L_overlay_start_1:
0x0: {  	(tag) =	ssettag $0x1  }
0x1: {  	s0 =	rddreg [dreg:$0x0]  }
0x2: {  	s6 =	rddreg [dreg:$0x1]  }
0x3: {  	s5 =	rddreg [dreg:$0x2]  }
0x4: {  	s2 =	rddreg [dreg:$0x3];
	s3 =	srdreg.scid  }
0x5: {  	s1 =	stileid.u32;
	s8 =	rddreg [dreg:$0x4]  }
0x6: {  	s10 =	rddreg [dreg:$0x5];
	s4 =	simm.s32 $0x0;
	s14 =	simm.s32 $0x140  }
0x7: {  	s15 =	simm.s32 $0xED80;
	s16 =	simm.s32 $0x7580;
	s17 =	simm.s32 $0x9D00  }
0x8: {  	s19 =	simm.s32 $0x1;
	s7 =	sand.u32 $0x1, s3;
	s30 =	sshll.u32 s1, $0x1  }
0x9: {  	s20 =	simm.s32 $0x0;
	s3 =	rddreg [dreg:$0x6];
	s18 =	sor.u32 s7, s30  }
0xa: {  	[smem:$0x7FF] =	sst s4;
	s7 =	ssub.s32 $0x2, s7;
	s9 =	smul.u32 $0x28, s18  }
0xb: {  	_ =	strace $0x80000047;
	s11 =	smul.u32 $0x2710, s18;
	s31 =	sshrl.u32 s7, $0x1  }
0xc: {  	s12 =	smul.u32 $0x1400, s18;
	p0 =	seq.s32 s18, $0x1F;
	s18 =	simm.s32 $0xC480  }
0xd: {  	s13 =	ssub.s32 s7, s31;
	s5 =	sadd.s32 s9, s5;
	s11 =	sshrl.u32 s11, $0x3  }
0xe: {  	s9 =	sadd.s32 s10, s12;
	s10 =	sadd.s32 $0x26C00, s10;
	s12 =	simm.s32 $0xEC00  }
0xf: {  	s5 =	sadd.s32 $0xE00, s5;
	s6 =	sadd.s32 s6, s11;
	s8 =	sadd.s32 s8, s11  }
0x10: {  	s11 =	smax.u32 s13, $0x1;
	s13 =	simm.s32 $0x2;
	s7 =	sadd.s32 $0x9C40, s6  }
.LBB2_1:
0x11: {  	[tilespmem:s12], [sflag:$0x2] =	stream.linear.gather [hbm4b:s5+s4], $0x140, $0x38;
	[tilespmem:$0x18D80] =	vst v63  }
0x12: {  	_ =	swait.ge [sflag:s13], $0x140  }
0x13: {  	[sflag:s13] =	ssyncset.done $0x0  }
0x14: {  	[sflag:s13] =	ssyncadd.s32 $0xFFFFFEC0  }
0x15: {  	[tilespmem:s15], [sflag:$0x1] =	stream.indirect.gather [hbm4b:s2+s14], $0x80, s12, s14, $0xb8;
	[tilespmem:$0x18D80] =	vst v63  }
0x16: {  	_ = 	snop  }
0x17: {  	[tilespmem:s4], [sflag:$0x2] =	stream.linear.gather [hbm4b:s0+s4], $0x7580, $0x38;
	[tilespmem:$0x18D80] =	vst v63  }
0x18: {  	_ =	swait.ge [sflag:s13], $0x7580  }
0x19: {  	[sflag:s13] =	ssyncset.done $0x0  }
0x1a: {  	[sflag:s13] =	ssyncadd.s32 $0xFFFF8A80  }
0x1b: {  	[tilespmem:s16], [sflag:$0x2] =	stream.linear.gather [hbm4b:s6+s4], $0x2710, $0x38;
	[tilespmem:$0x18D80] =	vst v63  }
0x1c: {  	_ =	swait.ge [sflag:s13], $0x2710  }
0x1d: {  	[sflag:s13] =	ssyncset.done $0x0  }
0x1e: {  	[sflag:s13] =	ssyncadd.s32 $0xFFFFD8F0  }
0x1f: {  	[tilespmem:s17], [sflag:$0x2] =	stream.linear.gather [hbm4b:s7+s4], $0x2710, $0x38;
	[tilespmem:$0x18D80] =	vst v63  }
0x20: {  	_ =	swait.ge [sflag:s13], $0x2710  }
0x21: {  	[sflag:s13] =	ssyncset.done $0x0  }
0x22: {  	s22 =	simm.s32 $0x75C0;
	[sflag:s13] =	ssyncadd.s32 $0xFFFFD8F0  }
0x23: {  	s21 =	simm.s32 $0x9D40;
	v0 =	vld [tilespmem:s22+$0x30]  }
0x24: {  	v1 =	vld [tilespmem:s21+$0x30]  }
0x25: {  	v2 =	vld [tilespmem:s21+$0xFFFFFFC0]  }
0x26: {  	v3 =	vld [tilespmem:s22+$0xFFFFFFD0]  }
0x27: {  	v4 =	vld [tilespmem:s21+$0xFFFFFFD0]  }
0x28: {  	v5 =	vld [tilespmem:s22+$0xFFFFFFE0]  }
0x29: {  	v6 =	vld [tilespmem:s21+$0xFFFFFFE0]  }
0x2a: {  	v24 =	vld [tilespmem:s22+$0xFFFFFFC0]  }
0x2b: {  	v7 =	vld [tilespmem:s22+$0xFFFFFFF0]  }
0x2c: {  	v8 =	vld [tilespmem:s21+$0xFFFFFFF0]  }
0x2d: {  	v10 =	vld [tilespmem:s22+$0x0];
	v0 =	vmul.u32 $0x3, v0  }
0x2e: {  	v12 =	vld [tilespmem:s21+$0x0];
	v1 =	vmul.u32 $0x3, v1  }
0x2f: {  	v16 =	vld [tilespmem:s22+$0x10];
	v24 =	vmul.u32 $0x3, v24  }
0x30: {  	v18 =	vld [tilespmem:s21+$0x10];
	v2 =	vmul.u32 $0x3, v2  }
0x31: {  	v20 =	vld [tilespmem:s22+$0x20];
	v3 =	vmul.u32 $0x3, v3  }
0x32: {  	v22 =	vld [tilespmem:s21+$0x20];
	v4 =	vmul.u32 $0x3, v4  }
0x33: {  	v5 =	vmul.u32 $0x3, v5;
	v9 =	vadd.s32 $0x1, v0;
	v13 =	vadd.s32 $0x2, v0;
	v0 =	vld.idx.msk [tilespmem:v0+s4+$0x0], $0xffff  }
0x34: {  	v10 =	vmul.u32 $0x3, v10;
	v11 =	vadd.s32 $0x1, v1;
	v14 =	vadd.s32 $0x2, v1;
	v1 =	vld.idx.msk [tilespmem:v1+s4+$0x0], $0xffff  }
0x35: {  	v12 =	vmul.u32 $0x3, v12;
	v34 =	vld.idx.msk [tilespmem:v24+s4+$0x0], $0xffff  }
0x36: {  	v16 =	vmul.u32 $0x3, v16;
	v35 =	vld.idx.msk [tilespmem:v2+s4+$0x0], $0xffff  }
0x37: {  	v20 =	vmul.u32 $0x3, v20;
	v36 =	vld.idx.msk [tilespmem:v3+s4+$0x0], $0xffff  }
0x38: {  	v22 =	vmul.u32 $0x3, v22;
	v37 =	vld.idx.msk [tilespmem:v4+s4+$0x0], $0xffff  }
0x39: {  	v38 =	vld.idx.msk [tilespmem:v5+s4+$0x0], $0xffff  }
0x3a: {  	v39 =	vld.idx.msk [tilespmem:v10+s4+$0x0], $0xffff  }
0x3b: {  	v48 =	vld.idx.msk [tilespmem:v12+s4+$0x0], $0xffff  }
0x3c: {  	v41 =	vld.idx.msk [tilespmem:v16+s4+$0x0], $0xffff  }
0x3d: {  	v49 =	vld.idx.msk [tilespmem:v20+s4+$0x0], $0xffff  }
0x3e: {  	v15 =	vadd.s32 $0x1, v2;
	v33 =	vadd.s32 $0x1, v22;
	v51 =	vadd.s32 $0x2, v22;
	v22 =	vld.idx.msk [tilespmem:v22+s4+$0x0], $0xffff  }
0x3f: {  	v17 =	vadd.s32 $0x1, v3;
	v9 =	vld.idx.msk [tilespmem:v9+s4+$0x0], $0xffff  }
0x40: {  	v6 =	vmul.u32 $0x3, v6;
	v19 =	vadd.s32 $0x1, v4;
	v11 =	vld.idx.msk [tilespmem:v11+s4+$0x0], $0xffff  }
0x41: {  	v7 =	vmul.u32 $0x3, v7;
	v21 =	vadd.s32 $0x1, v5;
	v13 =	vld.idx.msk [tilespmem:v13+s4+$0x0], $0xffff  }
0x42: {  	v8 =	vmul.u32 $0x3, v8;
	v23 =	vadd.s32 $0x1, v6;
	v14 =	vld.idx.msk [tilespmem:v14+s4+$0x0], $0xffff  }
0x43: {  	v25 =	vadd.s32 $0x1, v7;
	v15 =	vld.idx.msk [tilespmem:v15+s4+$0x0], $0xffff  }
0x44: {  	v26 =	vadd.s32 $0x1, v8;
	v17 =	vld.idx.msk [tilespmem:v17+s4+$0x0], $0xffff  }
0x45: {  	v27 =	vadd.s32 $0x1, v10;
	v19 =	vld.idx.msk [tilespmem:v19+s4+$0x0], $0xffff  }
0x46: {  	v18 =	vmul.u32 $0x3, v18;
	v28 =	vadd.s32 $0x1, v12;
	v21 =	vld.idx.msk [tilespmem:v21+s4+$0x0], $0xffff  }
0x47: {  	v29 =	vadd.s32 $0x1, v16;
	v23 =	vld.idx.msk [tilespmem:v23+s4+$0x0], $0xffff  }
0x48: {  	v30 =	vadd.s32 $0x1, v18;
	v25 =	vld.idx.msk [tilespmem:v25+s4+$0x0], $0xffff  }
0x49: {  	v31 =	vadd.s32 $0x1, v24;
	v26 =	vld.idx.msk [tilespmem:v26+s4+$0x0], $0xffff  }
0x4a: {  	v32 =	vadd.s32 $0x1, v20;
	v27 =	vld.idx.msk [tilespmem:v27+s4+$0x0], $0xffff  }
0x4b: {  	v28 =	vld.idx.msk [tilespmem:v28+s4+$0x0], $0xffff  }
0x4c: {  	v29 =	vld.idx.msk [tilespmem:v29+s4+$0x0], $0xffff  }
0x4d: {  	v40 =	vadd.s32 $0x2, v10;
	v50 =	vadd.s32 $0x2, v20;
	v2 =	vadd.s32 $0x2, v2;
	v30 =	vld.idx.msk [tilespmem:v30+s4+$0x0], $0xffff  }
0x4e: {  	v3 =	vadd.s32 $0x2, v3;
	v4 =	vadd.s32 $0x2, v4;
	v5 =	vadd.s32 $0x2, v5;
	v31 =	vld.idx.msk [tilespmem:v31+s4+$0x0], $0xffff  }
0x4f: {  	v12 =	vadd.s32 $0x2, v12;
	v32 =	vld.idx.msk [tilespmem:v32+s4+$0x0], $0xffff;
	v0 =	vsub.f32 v0, v1;
	v1 =	vsub.f32 v9, v11  }
0x50: {  	v16 =	vadd.s32 $0x2, v16;
	v33 =	vld.idx.msk [tilespmem:v33+s4+$0x0], $0xffff;
	v54 =	vsub.f32 v34, v35;
	v56 =	vsub.f32 v36, v37  }
0x51: {  	v9 =	vld.idx.msk [tilespmem:v6+s4+$0x0], $0xffff;
	v13 =	vsub.f32 v13, v14;
	v0 =	vmul.f32 v0, v0;
	v1 =	vmul.f32 v1, v1  }
0x52: {  	v11 =	vld.idx.msk [tilespmem:v7+s4+$0x0], $0xffff;
	v6 =	vadd.s32 $0x2, v6;
	v7 =	vadd.s32 $0x2, v7;
	v10 =	vsub.f32 v21, v23  }
0x53: {  	v57 =	vld.idx.msk [tilespmem:v3+s4+$0x0], $0xffff;
	v0 =	vadd.f32 v1, v0;
	v1 =	vmul.f32 v13, v13;
	v13 =	vadd.s32 $0x2, v24  }
0x54: {  	v14 =	vld.idx.msk [tilespmem:v8+s4+$0x0], $0xffff;
	v8 =	vadd.s32 $0x2, v8;
	v52 =	vsub.f32 v25, v26;
	v15 =	vsub.f32 v31, v15  }
0x55: {  	v4 =	vld.idx.msk [tilespmem:v4+s4+$0x0], $0xffff;
	v53 =	vsub.f32 v27, v28;
	v55 =	vsub.f32 v29, v30;
	v27 =	vmul.f32 v56, v56  }
0x56: {  	v2 =	vld.idx.msk [tilespmem:v2+s4+$0x0], $0xffff;
	v10 =	vmul.f32 v10, v10;
	v3 =	vmul.f32 v15, v15;
	v9 =	vsub.f32 v38, v9  }
0x57: {  	v15 =	vmul.f32 v54, v54;
	v42 =	vadd.f32 v1, v0;
	v0 =	vld.idx.msk [tilespmem:v18+s4+$0x0], $0xffff;
	v1 =	vsub.f32 v17, v19  }
0x58: {  	v59 =	vsub.f32 v32, v33;
	v21 =	vmul.f32 v52, v52;
	v23 =	vmul.f32 v53, v53;
	v13 =	vld.idx.msk [tilespmem:v13+s4+$0x0], $0xffff  }
0x59: {  	v5 =	vld.idx.msk [tilespmem:v5+s4+$0x0], $0xffff;
	v15 =	vadd.f32 v3, v15;
	v3 =	vmul.f32 v9, v9;
	v1 =	vmul.f32 v1, v1  }
0x5a: {  	v58 =	vmul.f32 v55, v55;
	v62 =	vsub.f32 v57, v4;
	v9 =	vsub.f32 v11, v14;
	v11 =	vld.idx.msk [tilespmem:v6+s4+$0x0], $0xffff  }
0x5b: {  	v61 =	vld.idx.msk [tilespmem:v7+s4+$0x0], $0xffff;
	v18 =	vadd.s32 $0x2, v18;
	v10 =	vadd.f32 v10, v3;
	v60 =	vadd.f32 v1, v27  }
0x5c: {  	v8 =	vld.idx.msk [tilespmem:v8+s4+$0x0], $0xffff;
	v6 =	vmul.f32 v9, v9;
	v1 =	vsub.f32 v39, v48;
	v0 =	vsub.f32 v41, v0  }
0x5d: {  	v14 =	vmul.f32 v59, v59;
	v9 =	vsub.f32 v49, v22;
	v3 =	vld.idx.msk [tilespmem:v40+s4+$0x0], $0xffff;
	v2 =	vsub.f32 v13, v2  }
0x5e: {  	v7 =	vmul.f32 v1, v1;
	v1 =	vadd.f32 v21, v6;
	v6 =	vld.idx.msk [tilespmem:v12+s4+$0x0], $0xffff;
	v13 =	vmul.f32 v0, v0  }
0x5f: {  	v9 =	vmul.f32 v9, v9;
	v63 =	vsub.f32 v5, v11;
	v5 =	vld.idx.msk [tilespmem:v50+s4+$0x0], $0xffff;
	v12 =	vmul.f32 v2, v2  }
0x60: {  	s22 =	simm.s32 $0xC4C0;
	v0 =	vadd.f32 v23, v7;
	v7 =	vld.idx.msk [tilespmem:v18+s4+$0x0], $0xffff;
	v4 =	vadd.f32 v58, v13;
	v13 =	vmul.f32 v62, v62  }
0x61: {  	[tilespmem:s22+$0x30] =	vst v42;
	v9 =	vadd.f32 v14, v9;
	v2 =	vld.idx.msk [tilespmem:v16+s4+$0x0], $0xffff;
	v11 =	vadd.f32 v12, v15  }
0x62: {  	s23 =	simm.s32 $0x0;
	s24 =	simm.s32 $0x7640;
	v14 =	vsub.f32 v61, v8;
	v8 =	vld.idx.msk [tilespmem:v51+s4+$0x0], $0xffff;
	v12 =	vadd.f32 v13, v60;
	v13 =	vmul.f32 v63, v63  }
.LBB2_2:
0x63: {  	v15 =	vld [tilespmem:s24+$0x30];
	[tilespmem:s22+$0xFFFFFFC0] =	vst v11;
	s21 =	sadd.s32 $0x80, s21  }
0x64: {  	v3 =	vsub.f32 v3, v6;
	v11 =	vld [tilespmem:s21+$0x30];
	[tilespmem:s22+$0xFFFFFFD0] =	vst v12;
	v10 =	vadd.f32 v13, v10;
	v12 =	vmul.f32 v14, v14  }
0x65: {  	s23 =	sadd.s32 $0x8, s23;
	v6 =	vld [tilespmem:s21+$0xFFFFFFC0]  }
0x66: {  	p1 =	slt.u32 s23, $0x268;
	v3 =	vmul.f32 v3, v3;
	v2 =	vsub.f32 v2, v7;
	v13 =	vld [tilespmem:s24+$0xFFFFFFD0];
	[tilespmem:s22+$0xFFFFFFE0] =	vst v10;
	v1 =	vadd.f32 v12, v1  }
0x67: {  	v7 =	vld [tilespmem:s21+$0xFFFFFFD0]  }
0x68: {  	v12 =	vld [tilespmem:s24+$0xFFFFFFE0];
	v14 =	vmul.u32 $0x3, v15;
	[tilespmem:s22+$0xFFFFFFF0] =	vst v1;
	v1 =	vmul.f32 v2, v2;
	v2 =	vsub.f32 v5, v8  }
0x69: {  	v0 =	vadd.f32 v3, v0;
	v5 =	vld [tilespmem:s21+$0xFFFFFFE0];
	v8 =	vmul.u32 $0x3, v11  }
0x6a: {  	v10 =	vmul.u32 $0x3, v6;
	v3 =	vld [tilespmem:s24+$0xFFFFFFF0];
	v1 =	vadd.f32 v1, v4;
	v11 =	vmul.f32 v2, v2  }
0x6b: {  	v4 =	vadd.s32 $0x1, v14;
	v13 =	vmul.u32 $0x3, v13;
	v2 =	vld [tilespmem:s21+$0xFFFFFFF0];
	[tilespmem:s22+$0x0] =	vst v0  }
0x6c: {  	v15 =	vadd.s32 $0x1, v10;
	v16 =	vmul.u32 $0x3, v7;
	v6 =	vld [tilespmem:s24+$0x0];
	v7 =	vadd.s32 $0x1, v8;
	[tilespmem:s22+$0x10] =	vst v1  }
0x6d: {  	v19 =	vadd.s32 $0x2, v14;
	v17 =	vadd.s32 $0x1, v13;
	v12 =	vmul.u32 $0x3, v12;
	v18 =	vld [tilespmem:s21+$0x0]  }
0x6e: {  	v22 =	vadd.s32 $0x2, v8;
	v20 =	vadd.s32 $0x1, v16;
	v21 =	vmul.u32 $0x3, v5;
	v14 =	vld.idx.msk [tilespmem:v14+s4+$0x0], $0xffff  }
0x6f: {  	v0 =	vadd.s32 $0x2, v10;
	v23 =	vadd.s32 $0x1, v12;
	v24 =	vmul.u32 $0x3, v3;
	v25 =	vld.idx.msk [tilespmem:v8+s4+$0x0], $0xffff  }
0x70: {  	v1 =	vadd.s32 $0x2, v13;
	v26 =	vadd.s32 $0x1, v21;
	v27 =	vmul.u32 $0x3, v2;
	v28 =	vld.idx.msk [tilespmem:v4+s4+$0x0], $0xffff  }
0x71: {  	v5 =	vadd.s32 $0x2, v16;
	v29 =	vadd.s32 $0x1, v24;
	v30 =	vmul.u32 $0x3, v6;
	v31 =	vld.idx.msk [tilespmem:v7+s4+$0x0], $0xffff  }
0x72: {  	v6 =	vadd.s32 $0x2, v12;
	v32 =	vadd.s32 $0x1, v27;
	v18 =	vmul.u32 $0x3, v18;
	v19 =	vld.idx.msk [tilespmem:v19+s4+$0x0], $0xffff  }
0x73: {  	v8 =	vadd.s32 $0x2, v21;
	v4 =	vadd.s32 $0x2, v24;
	v33 =	vadd.s32 $0x1, v30;
	v22 =	vld.idx.msk [tilespmem:v22+s4+$0x0], $0xffff  }
0x74: {  	v7 =	vadd.s32 $0x2, v27;
	v3 =	vadd.s32 $0x2, v30;
	v34 =	vadd.s32 $0x1, v18;
	v35 =	vld [tilespmem:s24+$0x10]  }
0x75: {  	v9 =	vadd.f32 v11, v9;
	v2 =	vadd.s32 $0x2, v18;
	v36 =	vld [tilespmem:s21+$0x10]  }
0x76: {  	v11 =	vld [tilespmem:s24+$0x20]  }
0x77: {  	v14 =	vsub.f32 v14, v25;
	v25 =	vsub.f32 v28, v31;
	v37 =	vld [tilespmem:s21+$0x20];
	[tilespmem:s22+$0x20] =	vst v9  }
0x78: {  	v9 =	vld [tilespmem:s24+$0xFFFFFFC0]  }
0x79: {  	v14 =	vmul.f32 v14, v14;
	v25 =	vmul.f32 v25, v25;
	v19 =	vsub.f32 v19, v22;
	v15 =	vld.idx.msk [tilespmem:v15+s4+$0x0], $0xffff  }
0x7a: {  	v22 =	vmul.u32 $0x3, v35;
	v17 =	vld.idx.msk [tilespmem:v17+s4+$0x0], $0xffff;
	v28 =	vmul.u32 $0x3, v36  }
0x7b: {  	v14 =	vadd.f32 v25, v14;
	v19 =	vmul.f32 v19, v19;
	v20 =	vld.idx.msk [tilespmem:v20+s4+$0x0], $0xffff;
	v11 =	vmul.u32 $0x3, v11  }
0x7c: {  	v25 =	vadd.s32 $0x1, v22;
	v23 =	vld.idx.msk [tilespmem:v23+s4+$0x0], $0xffff;
	v31 =	vadd.s32 $0x1, v28;
	v35 =	vmul.u32 $0x3, v37  }
0x7d: {  	v14 =	vadd.f32 v19, v14;
	v9 =	vmul.u32 $0x3, v9;
	v26 =	vld.idx.msk [tilespmem:v26+s4+$0x0], $0xffff;
	v36 =	vadd.s32 $0x1, v11  }
0x7e: {  	s22 =	sadd.s32 $0x80, s22;
	v37 =	vadd.s32 $0x2, v28;
	v19 =	vld.idx.msk [tilespmem:v29+s4+$0x0], $0xffff;
	v29 =	vadd.s32 $0x2, v22;
	v38 =	vadd.s32 $0x1, v35  }
0x7f: {  	v41 =	vadd.s32 $0x2, v11;
	v39 =	vadd.s32 $0x1, v9;
	v40 =	vadd.s32 $0x2, v9;
	v32 =	vld.idx.msk [tilespmem:v32+s4+$0x0], $0xffff;
	[tilespmem:s22+$0x30] =	vst v14  }
0x80: {  	v14 =	vld.idx.msk [tilespmem:v33+s4+$0x0], $0xffff;
	v33 =	vadd.s32 $0x2, v35  }
0x81: {  	v17 =	vsub.f32 v17, v20;
	v20 =	vld.idx.msk [tilespmem:v34+s4+$0x0], $0xffff  }
0x82: {  	v25 =	vld.idx.msk [tilespmem:v25+s4+$0x0], $0xffff  }
0x83: {  	v17 =	vmul.f32 v17, v17;
	v23 =	vsub.f32 v23, v26;
	v26 =	vld.idx.msk [tilespmem:v31+s4+$0x0], $0xffff  }
0x84: {  	v31 =	vld.idx.msk [tilespmem:v39+s4+$0x0], $0xffff  }
0x85: {  	v23 =	vmul.f32 v23, v23;
	v19 =	vsub.f32 v19, v32;
	v32 =	vld.idx.msk [tilespmem:v36+s4+$0x0], $0xffff  }
0x86: {  	v34 =	vld.idx.msk [tilespmem:v38+s4+$0x0], $0xffff  }
0x87: {  	v19 =	vmul.f32 v19, v19;
	v14 =	vsub.f32 v14, v20;
	v9 =	vld.idx.msk [tilespmem:v9+s4+$0x0], $0xffff  }
0x88: {  	v10 =	vld.idx.msk [tilespmem:v10+s4+$0x0], $0xffff  }
0x89: {  	v14 =	vmul.f32 v14, v14;
	v20 =	vsub.f32 v25, v26;
	v13 =	vld.idx.msk [tilespmem:v13+s4+$0x0], $0xffff  }
0x8a: {  	v15 =	vsub.f32 v31, v15;
	v16 =	vld.idx.msk [tilespmem:v16+s4+$0x0], $0xffff  }
0x8b: {  	v20 =	vmul.f32 v20, v20;
	v12 =	vld.idx.msk [tilespmem:v12+s4+$0x0], $0xffff  }
0x8c: {  	v15 =	vmul.f32 v15, v15;
	v25 =	vsub.f32 v32, v34;
	v21 =	vld.idx.msk [tilespmem:v21+s4+$0x0], $0xffff  }
0x8d: {  	v24 =	vld.idx.msk [tilespmem:v24+s4+$0x0], $0xffff  }
0x8e: {  	v9 =	vsub.f32 v9, v10;
	v25 =	vmul.f32 v25, v25;
	v10 =	vld.idx.msk [tilespmem:v27+s4+$0x0], $0xffff  }
0x8f: {  	v26 =	vld.idx.msk [tilespmem:v30+s4+$0x0], $0xffff  }
0x90: {  	v9 =	vmul.f32 v9, v9;
	v13 =	vsub.f32 v13, v16;
	v16 =	vld.idx.msk [tilespmem:v18+s4+$0x0], $0xffff  }
0x91: {  	v18 =	vld.idx.msk [tilespmem:v22+s4+$0x0], $0xffff  }
0x92: {  	v15 =	vadd.f32 v15, v9;
	v9 =	vmul.f32 v13, v13;
	v12 =	vsub.f32 v12, v21;
	v13 =	vld.idx.msk [tilespmem:v28+s4+$0x0], $0xffff  }
0x93: {  	v11 =	vld.idx.msk [tilespmem:v11+s4+$0x0], $0xffff  }
0x94: {  	v17 =	vadd.f32 v17, v9;
	v9 =	vmul.f32 v12, v12;
	v12 =	vsub.f32 v24, v10;
	v21 =	vld.idx.msk [tilespmem:v35+s4+$0x0], $0xffff  }
0x95: {  	v22 =	vld.idx.msk [tilespmem:v40+s4+$0x0], $0xffff  }
0x96: {  	v10 =	vadd.f32 v23, v9;
	v9 =	vsub.f32 v26, v16;
	v24 =	vld.idx.msk [tilespmem:v0+s4+$0x0], $0xffff;
	v0 =	vmul.f32 v12, v12  }
0x97: {  	v12 =	vld.idx.msk [tilespmem:v1+s4+$0x0], $0xffff  }
0x98: {  	v5 =	vld.idx.msk [tilespmem:v5+s4+$0x0], $0xffff;
	v1 =	vadd.f32 v19, v0;
	v0 =	vmul.f32 v9, v9;
	v9 =	vsub.f32 v18, v13  }
0x99: {  	v13 =	vld.idx.msk [tilespmem:v6+s4+$0x0], $0xffff  }
0x9a: {  	v8 =	vld.idx.msk [tilespmem:v8+s4+$0x0], $0xffff;
	v0 =	vadd.f32 v14, v0;
	v6 =	vmul.f32 v9, v9;
	v9 =	vsub.f32 v11, v21  }
0x9b: {  	v14 =	vld.idx.msk [tilespmem:v4+s4+$0x0], $0xffff  }
0x9c: {  	v11 =	vsub.f32 v22, v24;
	v16 =	vld.idx.msk [tilespmem:v7+s4+$0x0], $0xffff;
	v4 =	vadd.f32 v20, v6;
	v7 =	vmul.f32 v9, v9  }
0x9d: {  	v3 =	vld.idx.msk [tilespmem:v3+s4+$0x0], $0xffff  }
.Ltmp0:
0x9e: {  	v11 =	vmul.f32 v11, v11;
	v5 =	vsub.f32 v12, v5;
	v6 =	vld.idx.msk [tilespmem:v2+s4+$0x0], $0xffff;
	v9 =	vadd.f32 v25, v7;
	(pc) =	sbr.rel @p1 .LBB2_2-.Ltmp0, $4  }
0x9f: {  	v2 =	vld.idx.msk [tilespmem:v29+s4+$0x0], $0xffff  }
0xa0: {  	v11 =	vadd.f32 v11, v15;
	v12 =	vmul.f32 v5, v5;
	v8 =	vsub.f32 v13, v8;
	v7 =	vld.idx.msk [tilespmem:v37+s4+$0x0], $0xffff  }
0xa1: {  	v5 =	vld.idx.msk [tilespmem:v41+s4+$0x0], $0xffff  }
0xa2: {  	s24 =	sadd.s32 $0x80, s24;
	v12 =	vadd.f32 v12, v17;
	v13 =	vmul.f32 v8, v8;
	v14 =	vsub.f32 v14, v16;
	v8 =	vld.idx.msk [tilespmem:v33+s4+$0x0], $0xffff  }
0xa3: {  	_ =	sdelay $0x1  }
0xa4: {  	v3 =	vsub.f32 v3, v6  }
0xa5: {  	v52 =	vmul.f32 v14, v14;
	v2 =	vsub.f32 v2, v7  }
0xa6: {  	[tilespmem:s22+$0xFFFFFFC0] =	vst v11;
	v53 =	vadd.f32 v13, v10;
	v3 =	vmul.f32 v3, v3;
	v5 =	vsub.f32 v5, v8  }
0xa7: {  	[tilespmem:s22+$0xFFFFFFD0] =	vst v12;
	v1 =	vadd.f32 v52, v1;
	v2 =	vmul.f32 v2, v2  }
0xa8: {  	[tilespmem:s22+$0xFFFFFFE0] =	vst v53;
	v0 =	vadd.f32 v3, v0;
	v54 =	vmul.f32 v5, v5  }
0xa9: {  	[tilespmem:s22+$0xFFFFFFF0] =	vst v1;
	v55 =	vadd.f32 v2, v4  }
0xaa: {  	[tilespmem:s22+$0x0] =	vst v0;
	v56 =	vadd.f32 v54, v9  }
0xab: {  	[tilespmem:s22+$0x10] =	vst v55  }
0xac: {  	[tilespmem:s22+$0x20] =	vst v56  }
0xad: {  	v0 =	vld [tilespmem:$0x9C80]  }
0xae: {  	v1 =	vld [tilespmem:$0xC400];
	_ =	sdelay $0x3  }
0xaf: {  	v0 =	vmul.u32 $0x3, v0  }
0xb0: {  	v1 =	vmul.u32 $0x3, v1;
	_ =	sdelay $0x1  }
0xb1: {  	v57 =	vadd.s32 $0x1, v0  }
0xb2: {  	v58 =	vadd.s32 $0x1, v1  }
0xb3: {  	v59 =	vadd.s32 $0x2, v0  }
0xb4: {  	v60 =	vadd.s32 $0x2, v1;
	v0 =	vld.idx.msk [tilespmem:v0+s4+$0x0], $0xffff  }
0xb5: {  	v1 =	vld.idx.msk [tilespmem:v1+s4+$0x0], $0xffff  }
0xb6: {  	v2 =	vld.idx.msk [tilespmem:v57+s4+$0x0], $0xffff  }
0xb7: {  	v3 =	vld.idx.msk [tilespmem:v58+s4+$0x0], $0xffff  }
0xb8: {  	v4 =	vld.idx.msk [tilespmem:v59+s4+$0x0], $0xffff  }
0xb9: {  	v5 =	vld.idx.msk [tilespmem:v60+s4+$0x0], $0xffff;
	_ =	sdelay $0x2  }
0xba: {  	v0 =	vsub.f32 v0, v1;
	v61 =	vsub.f32 v2, v3;
	_ =	sdelay $0x1  }
0xbb: {  	v62 =	vsub.f32 v4, v5;
	v0 =	vmul.f32 v0, v0;
	v1 =	vmul.f32 v61, v61;
	_ =	sdelay $0x1  }
0xbc: {  	v63 =	vmul.f32 v62, v62;
	v0 =	vadd.f32 v1, v0;
	_ =	sdelay $0x1  }
0xbd: {  	v0 =	vadd.f32 v63, v0;
	_ =	sdelay $0x1  }
0xbe: {  	[tilespmem:$0xEB80] =	vst v0  }
0xbf: {  	[hbm4b:s8+s4] =	stream.linear.scatter [tilespmem:s18], [sflag:$0x2], $0x2710, $0x38;
	[tilespmem:$0x18D80] =	vst v63  }
0xc0: {  	_ =	swait.ge [sflag:s13], $0x2710  }
0xc1: {  	[sflag:s13] =	ssyncset.done $0x0  }
0xc2: {  	[sflag:s13] =	ssyncadd.s32 $0xFFFFD8F0  }
0xc3: {  	_ =	swait.ge [sflag:s19], $0xA000  }
0xc4: {  	[sflag:s19] =	ssyncset.done $0x0  }
0xc5: {  	s21 =	simm.s32 @p0 $0x0;
	s22 =	simm.s32 @p0 $0xED80;
	[sflag:s19] =	ssyncadd.s32 $0xFFFF6000  }
0xc6: {  	[hbm4b:s10+s21] =	stream.linear.scatter @p0 [tilespmem:s22], [sflag:$0x2], $0x2800, $0x38;
	[tilespmem:$0x18D80] =	vst v63  }
0xc7: {  	s21 =	simm.s32 @p0 $0x2  }
0xc8: {  	s20 =	sadd.s32 $0x1, s20;
	_ =	swait.ge @p0 [sflag:s21], $0x2800  }
0xc9: {  	p1 =	sne.s32 s20, s11;
	[sflag:s21] =	ssyncset.done @p0 $0x0  }
0xca: {  	s22 =	simm.s32 @!p0 $0xED80;
	[sflag:s21] =	ssyncadd.s32 @p0 $0xFFFFD800;
	s21 =	simm.s32 @!p0 $0x0  }
0xcb: {  	[hbm4b:s9+s21] =	stream.linear.scatter @!p0 [tilespmem:s22], [sflag:$0x2], $0xA000, $0x38;
	[tilespmem:$0x18D80] =	vst v63  }
.Ltmp1:
0xcc: {  	_ = 	snop;
	(pc) =	sbr.rel @p1 .LBB2_1-.Ltmp1, $4  }
0xcd: {  	s21 =	simm.s32 @!p0 $0x2  }
0xce: {  	_ =	swait.ge @!p0 [sflag:s21], $0xA000  }
0xcf: {  	[sflag:s21] =	ssyncset.done @!p0 $0x0  }
0xd0: {  	[sflag:s21] =	ssyncadd.s32 @!p0 $0xFFFF6000  }
0xd1: {  	_ =	sfence.sel $0x180000  }
0xd2: {  	[bflag:$0x0] =	sbarrier.arrive $0xFFFF  }
0xd3: {  	p0 =	sne.s32 s1, $0x0;
	_ =	strace $0x90000047  }
0xd4: {  	s0 =	sadd.s32 @!p0 $0x100000, s3;
	[bflag:$0x2] =	sbarrier.arrive $0xFFFF  }
0xd5: {  	[sflag:s0] =	ssyncadd.tile.s32 @!p0 $0x1;
	_ =	shalt  }
.Lfunc_end2:
_tile_overlayer_lowered:
.L_overlay_start_2:
0xd6: {  	(tag) =	ssettag $0x2  }
0xd7: {  	s0 =	rddreg [dreg:$0x0];
	s2 =	stileid.u32  }
0xd8: {  	s1 =	rddreg [dreg:$0x1];
	p0 =	sne.s32 s2, $0x0  }
0xd9: {  	s3 =	rddreg [dreg:$0x2];
	[bflag:$0x3] =	sbarrier.arrive $0xFFFF;
	s2 =	simm.s32 @!p0 $0x1C02  }
0xda: {  	[timem:s3], [sflag:s2] =	dma.local @!p0 [hbm:s0], s1  }
0xdb: {  	s0 =	simm.s32 @!p0 $0x2  }
0xdc: {  	_ =	swait.ge @!p0 [sflag:s0], s1  }
0xdd: {  	s1 =	ssub.s32 @!p0 $0x0, s1;
	[sflag:s0] =	ssyncset.done @!p0 $0x0  }
0xde: {  	[sflag:s0] =	ssyncadd.s32 @!p0 s1  }
0xdf: {  	[bflag:$0x3] =	sbarrier.arrive $0xFFFF  }
0xe0: {  	_ =	shalt  }

</sc_bundles>
